<compile_context>
chip_gen: v7x
topology: tpu7x:2x2x1
jax: 0.10.2.dev20260603
libtpu: 0.0.44.dev20260713+nightly
codegen_flags: <defaults>
</compile_context>

<pallas_src>
import functools

import jax
import jax.numpy as jnp
from jax import lax
from jax.experimental import pallas as pl
from jax.experimental.pallas import tpu as pltpu
from jax.experimental.pallas import tpu_sc as plsc

B, N, M = 4, 8192, 2048
C1, C2 = 16, 32
CIN = C1 + C2
H = 64
NB = 1024
NBLK = N // NB
NP = 2048
NPBLK = N // NP
CNT = float(B * N)
HIGH = jax.lax.Precision.HIGHEST

NW = 32
PTS_W = B * N // NW


def _stage_a1(xyz1_ref, xyz2t_ref, gidx_ref, wn_ref):
    b = pl.program_id(0)
    q = xyz1_ref[0]
    kt = xyz2t_ref[0]
    cross = jnp.dot(q.astype(jnp.bfloat16), kt.astype(jnp.bfloat16),
                    preferred_element_type=jnp.float32)
    qn = (q[:, 0:1] * q[:, 0:1] + q[:, 1:2] * q[:, 1:2]
          + q[:, 2:3] * q[:, 2:3])
    kn = (kt[0:1, :] * kt[0:1, :] + kt[1:2, :] * kt[1:2, :]
          + kt[2:3, :] * kt[2:3, :])
    d2 = jnp.maximum(qn + kn - 2.0 * cross, 0.0)

    iota = jax.lax.broadcasted_iota(jnp.int32, (NB, M), 1).astype(jnp.float32)
    dcur = d2
    aks = []
    dmins = []
    for k in range(3):
        mk = jnp.min(dcur, axis=1, keepdims=True)
        ak = jnp.min(jnp.where(dcur == mk, iota, jnp.float32(M)),
                     axis=1, keepdims=True)
        aks.append(ak)
        dmins.append(mk)
        if k < 2:
            dcur = jnp.where(iota == ak, jnp.float32(jnp.inf), dcur)

    zero = jnp.zeros_like(aks[0])
    gidx_ref[0] = jnp.concatenate(aks + [zero], axis=1).astype(jnp.int32)
    winv = [1.0 / (jnp.sqrt(mk) + 1e-10) for mk in dmins]
    z = winv[0] + winv[1] + winv[2]
    wn_ref[0] = jnp.concatenate(
        [wi / z for wi in winv] + [jnp.zeros_like(z)], axis=1)


def _interp_body(table_hbm, idx_hbm, w_hbm, out_hbm,
                 table_v, idx_v, w_v, out_v):
    wid = lax.axis_index("s") * 2 + lax.axis_index("c")
    batch = wid // (NW // B)
    pltpu.sync_copy(table_hbm.at[batch], table_v)
    pltpu.sync_copy(idx_hbm.at[pl.ds(wid * PTS_W * 4, PTS_W * 4)], idx_v)
    pltpu.sync_copy(w_hbm.at[pl.ds(wid * PTS_W * 4, PTS_W * 4)], w_v)

    def chunk(q, _):
        po = q * 4
        iv = idx_v[pl.ds(po * 4, 16)]
        wv = w_v[pl.ds(po * 4, 16)]
        for j in range(4):
            i0 = iv[4 * j] * C2
            i1 = iv[4 * j + 1] * C2
            i2 = iv[4 * j + 2] * C2
            w0 = wv[4 * j]
            w1 = wv[4 * j + 1]
            w2 = wv[4 * j + 2]
            lo = (w0 * table_v[pl.ds(i0, 16)]
                  + w1 * table_v[pl.ds(i1, 16)]
                  + w2 * table_v[pl.ds(i2, 16)])
            hi = (w0 * table_v[pl.ds(i0 + 16, 16)]
                  + w1 * table_v[pl.ds(i1 + 16, 16)]
                  + w2 * table_v[pl.ds(i2 + 16, 16)])
            out_v[pl.ds((po + j) * C2, 16)] = lo
            out_v[pl.ds((po + j) * C2 + 16, 16)] = hi
        return 0

    lax.fori_loop(0, PTS_W // 4, chunk, 0)
    pltpu.sync_copy(out_v, out_hbm.at[pl.ds(wid * PTS_W * C2, PTS_W * C2)])


def _sc_interp(table_flat, idx_flat, w_flat):
    mesh = plsc.VectorSubcoreMesh(core_axis_name="c", subcore_axis_name="s")
    f = functools.partial(
        pl.kernel, mesh=mesh,
        out_type=jax.ShapeDtypeStruct((B * N * C2,), jnp.float32),
        scratch_types=[
            pltpu.VMEM((M * C2,), jnp.float32),
            pltpu.VMEM((PTS_W * 4,), jnp.int32),
            pltpu.VMEM((PTS_W * 4,), jnp.float32),
            pltpu.VMEM((PTS_W * C2,), jnp.float32),
        ],
    )(_interp_body)
    return f(table_flat, idx_flat, w_flat)


def _mlp(g_ref, f1_ref, w1t_ref, b1_ref, w2t_ref, b2_ref,
         g1_ref, be1_ref, g2_ref, be2_ref, out_ref, y_scr, st1, st2):
    p = pl.program_id(0)
    b = pl.program_id(1)
    i = pl.program_id(2)
    blk = b * NPBLK + i
    first = jnp.logical_and(b == 0, i == 0)

    @pl.when(jnp.logical_and(p == 0, first))
    def _():
        st1[...] = jnp.zeros_like(st1)

    @pl.when(jnp.logical_and(p == 1, first))
    def _():
        st2[...] = jnp.zeros_like(st2)

    @pl.when(p == 0)
    def _():
        x = jnp.concatenate([g_ref[0], f1_ref[0]], axis=1)
        y1 = jnp.dot(x.astype(jnp.bfloat16),
                     w1t_ref[...].astype(jnp.bfloat16),
                     preferred_element_type=jnp.float32) + b1_ref[...]
        y_scr[blk] = y1
        st1[0:1, :] += jnp.sum(y1, axis=0, keepdims=True)
        st1[1:2, :] += jnp.sum(y1 * y1, axis=0, keepdims=True)

    @pl.when(p == 1)
    def _():
        mu = st1[0:1, :] / CNT
        var = st1[1:2, :] / CNT - mu * mu
        rstd = jax.lax.rsqrt(var + 1e-5)
        y1 = y_scr[blk]
        zt = jnp.maximum((y1 - mu) * rstd * g1_ref[...] + be1_ref[...], 0.0)
        y2 = jnp.dot(zt.astype(jnp.bfloat16),
                     w2t_ref[...].astype(jnp.bfloat16),
                     preferred_element_type=jnp.float32) + b2_ref[...]
        y_scr[blk] = y2
        st2[0:1, :] += jnp.sum(y2, axis=0, keepdims=True)
        st2[1:2, :] += jnp.sum(y2 * y2, axis=0, keepdims=True)

    @pl.when(p == 2)
    def _():
        mu = st2[0:1, :] / CNT
        var = st2[1:2, :] / CNT - mu * mu
        rstd = jax.lax.rsqrt(var + 1e-5)
        y2 = y_scr[blk]
        out_ref[0] = jnp.maximum((y2 - mu) * rstd * g2_ref[...]
                                 + be2_ref[...], 0.0)


def kernel(xyz1, xyz2, features1, features2, W1, b1, gamma1, beta1,
           W2, b2, gamma2, beta2):
    xyz2t = jnp.transpose(xyz2, (0, 2, 1))
    w1t = jnp.transpose(W1)
    w2t = jnp.transpose(W2)
    b1r = b1[None, :]
    b2r = b2[None, :]
    g1r = gamma1[None, :]
    g2r = gamma2[None, :]
    be1r = beta1[None, :]
    be2r = beta2[None, :]

    grid = (B, NBLK)
    grid_p = (B, NPBLK)
    row_spec = lambda c: pl.BlockSpec((1, NB, c), lambda b, i: (b, i, 0))
    rowp_spec = lambda c: pl.BlockSpec((1, NP, c), lambda b, i: (b, i, 0))
    full2d = lambda shape: pl.BlockSpec(shape, lambda b, i: (0, 0))

    gidx, wn = pl.pallas_call(
        _stage_a1,
        grid=grid,
        in_specs=[
            row_spec(3),
            pl.BlockSpec((1, 3, M), lambda b, i: (b, 0, 0)),
        ],
        out_specs=[row_spec(4), row_spec(4)],
        out_shape=[
            jax.ShapeDtypeStruct((B, N, 4), jnp.int32),
            jax.ShapeDtypeStruct((B, N, 4), jnp.float32),
        ],
    )(xyz1, xyz2t)

    interp = _sc_interp(features2.reshape(B, M * C2),
                        gidx.reshape(B * N * 4),
                        wn.reshape(B * N * 4))
    g3 = interp.reshape(B, N, C2)

    def mlp_in(c):
        return pl.BlockSpec(
            (1, NP, c),
            lambda p, b, i: (jnp.where(p == 0, b, 0),
                             jnp.where(p == 0, i, 0), 0))

    small = lambda shape: pl.BlockSpec(shape, lambda p, b, i: (0, 0))
    out = pl.pallas_call(
        _mlp,
        grid=(3, B, NPBLK),
        in_specs=[
            mlp_in(C2),
            mlp_in(C1),
            small((CIN, H)),
            small((1, H)),
            small((H, H)),
            small((1, H)),
            small((1, H)),
            small((1, H)),
            small((1, H)),
            small((1, H)),
        ],
        out_specs=pl.BlockSpec(
            (1, NP, H),
            lambda p, b, i: (jnp.where(p == 2, b, 0),
                             jnp.where(p == 2, i, 0), 0)),
        out_shape=jax.ShapeDtypeStruct((B, N, H), jnp.float32),
        scratch_shapes=[
            pltpu.VMEM((B * NPBLK, NP, H), jnp.float32),
            pltpu.VMEM((8, H), jnp.float32),
            pltpu.VMEM((8, H), jnp.float32),
        ],
    )(g3, features1, w1t, b1r, w2t, b2r, g1r, be1r, g2r, be2r)

    return out

# --- scband reference (transcript-rebuilt; emitter-appended) ---
"""Pipeline reference for scband-point-net-feature-propagation-35296041239307 (READ-ONLY COPY).

The authoritative reference and input builder live on the scoring server;
editing this copy changes nothing except your own understanding.
"""

import jax, jax.numpy as jnp
import numpy as np


def setup_inputs(seed: int = 0) -> dict:
    key = jax.random.key(seed)
    ks = jax.random.split(key, 8)
    B, N, M = 4, 8192, 2048
    C1, C2 = 16, 32
    Cin = C1 + C2
    H = 64
    inp = {}
    inp["xyz1"] = jax.random.normal(ks[0], (B, N, 3), dtype=jnp.float32)
    inp["xyz2"] = jax.random.normal(ks[1], (B, M, 3), dtype=jnp.float32)
    inp["features1"] = jax.random.normal(ks[2], (B, N, C1), dtype=jnp.float32)
    inp["features2"] = jax.random.normal(ks[3], (B, M, C2), dtype=jnp.float32)
    inp["W1"] = jax.random.normal(ks[4], (H, Cin), dtype=jnp.float32) * 0.05
    inp["b1"] = jnp.zeros((H,), dtype=jnp.float32)
    inp["gamma1"] = jnp.ones((H,), dtype=jnp.float32)
    inp["beta1"] = jnp.zeros((H,), dtype=jnp.float32)
    inp["W2"] = jax.random.normal(ks[5], (H, H), dtype=jnp.float32) * 0.05
    inp["b2"] = jnp.zeros((H,), dtype=jnp.float32)
    inp["gamma2"] = jnp.ones((H,), dtype=jnp.float32)
    inp["beta2"] = jnp.zeros((H,), dtype=jnp.float32)
    return inp


def _conv_bn_relu(x, W, b, gamma, beta):
    # x: [B, Cin, N]; 1x1 Conv2d == channel matmul; BatchNorm2d in training mode
    y = jnp.einsum('oi,bin->bon', W, x) + b[None, :, None]
    mu = jnp.mean(y, axis=(0, 2), keepdims=True)
    var = jnp.mean((y - mu) ** 2, axis=(0, 2), keepdims=True)
    y = (y - mu) / jnp.sqrt(var + 1e-5) * gamma[None, :, None] + beta[None, :, None]
    return jnp.maximum(y, 0.0)


def _forward(xyz1, xyz2, features1, features2, W1, b1, gamma1, beta1, W2, b2, gamma2, beta2):
    # cdist (Euclidean)
    d2 = (jnp.sum(xyz1 ** 2, axis=-1)[:, :, None]
          + jnp.sum(xyz2 ** 2, axis=-1)[:, None, :]
          - 2.0 * jnp.einsum('bnd,bmd->bnm', xyz1, xyz2))
    dists = jnp.sqrt(jnp.maximum(d2, 0.0)) + 1e-10
    idx = jnp.argsort(dists, axis=-1)[..., :3]  # [B, N, 3]
    d3 = jnp.take_along_axis(dists, idx, axis=-1)
    _norm_dists = d3 / jnp.sum(1.0 / d3, axis=-1, keepdims=True)  # computed but unused, as in original
    w = 1.0 / d3
    w = w / jnp.sum(w, axis=-1, keepdims=True)
    bidx = jnp.arange(xyz1.shape[0])[:, None, None]
    gathered = features2[bidx, idx]  # [B, N, 3, C2]
    interpolated = jnp.sum(gathered * w[..., None], axis=2)  # [B, N, C2]
    new_features = jnp.concatenate([interpolated, features1], axis=-1)  # [B, N, Cin]
    x = jnp.transpose(new_features, (0, 2, 1))  # [B, Cin, N]
    x = _conv_bn_relu(x, W1, b1, gamma1, beta1)
    x = _conv_bn_relu(x, W2, b2, gamma2, beta2)
    return jnp.transpose(x, (0, 2, 1))  # [B, N, H]


def reference(xyz1, xyz2, features1, features2, W1, b1, gamma1, beta1, W2, b2, gamma2, beta2):
    return _forward(xyz1, xyz2, features1, features2, W1, b1, gamma1, beta1, W2, b2, gamma2, beta2)

if __name__ == "__main__":
    import jax
    _d = setup_inputs()
    print(jax.jit(kernel)(*tuple(_d.values())))

</pallas_src>

<mosaic_0001>
#map = affine_map<(d0, d1) -> (0, 0)>
#map1 = affine_map<(d0, d1) -> (0)>
module attributes {stable_mosaic.version = 14 : i64} {
  func.func @_interp_body(%arg0: i32, %arg1: i32, %arg2: memref<4x65536xf32, #tpu.memory_space<hbm>>, %arg3: memref<131072xi32, #tpu.memory_space<hbm>>, %arg4: memref<131072xf32, #tpu.memory_space<hbm>>, %arg5: memref<1048576xf32, #tpu.memory_space<hbm>>, %arg6: memref<65536xf32, #tpu.memory_space<vmem>>, %arg7: memref<4096xi32, #tpu.memory_space<vmem>>, %arg8: memref<4096xf32, #tpu.memory_space<vmem>>, %arg9: memref<32768xf32, #tpu.memory_space<vmem>>) attributes {dimension_semantics = [#tpu.dimension_semantics<core_parallel>, #tpu.dimension_semantics<subcore_parallel>], iteration_bounds = array<i64: 2, 16>, scalar_prefetch = 0 : i64, scratch_operands = 4 : i64, tpu.core_type = #tpu.core_type<sc_vector_subcore>, window_params = [{transform_indices = #map}, {transform_indices = #map1}, {transform_indices = #map1}, {transform_indices = #map1}]} {
    %mul3A = arith.constant 2 : i32
    %mul3A_0 = arith.muli %arg1, %mul3A : i32
    %add3A = arith.addi %mul3A_0, %arg0 : i32
    %jit3A = arith.constant 8 : i32
    %div3A = arith.divsi %add3A, %jit3A : i32
    %sign3A = arith.constant 0 : i32
    %sign3A_1 = arith.cmpi sgt, %add3A, %sign3A : i32
    %sign3A_2 = arith.extui %sign3A_1 : i1 to i32
    %sign3A_3 = arith.constant 0 : i32
    %sign3A_4 = arith.cmpi slt, %add3A, %sign3A_3 : i32
    %sign3A_5 = arith.extui %sign3A_4 : i1 to i32
    %sign3A_6 = arith.subi %sign3A_2, %sign3A_5 : i32
    %sign3A_7 = arith.constant 0 : i32
    %sign3A_8 = arith.cmpi sgt, %jit3A, %sign3A_7 : i32
    %sign3A_9 = arith.extui %sign3A_8 : i1 to i32
    %sign3A_10 = arith.constant 0 : i32
    %sign3A_11 = arith.cmpi slt, %jit3A, %sign3A_10 : i32
    %sign3A_12 = arith.extui %sign3A_11 : i1 to i32
    %sign3A_13 = arith.subi %sign3A_9, %sign3A_12 : i32
    %ne3A = arith.cmpi ne, %sign3A_6, %sign3A_13 : i32
    %rem3A = arith.remsi %add3A, %jit3A : i32
    %ne3A_14 = arith.constant 0 : i32
    %ne3A_15 = arith.cmpi ne, %rem3A, %ne3A_14 : i32
    %and3A = arith.andi %ne3A, %ne3A_15 : i1
    %sub3A = arith.constant 1 : i32
    %sub3A_16 = arith.subi %div3A, %sub3A : i32
    %select_n3A = arith.select %and3A, %sub3A_16, %div3A : i32
    "tpu.region"() ({
      %run_scoped3A = tpu.sem_alloc : memref<!tpu.dma_semaphore, #tpu.memory_space<semaphore_mem>>
      %dma_start3A = arith.constant 0 : i32
      %dma_start3A_35 = tpu.memref_slice %arg2[%select_n3A, %dma_start3A] : memref<4x65536xf32, #tpu.memory_space<hbm>> -> memref<1x65536xf32, #tpu.memory_space<hbm>>
      %dma_start3A_36 = tpu.memref_squeeze %dma_start3A_35 : memref<1x65536xf32, #tpu.memory_space<hbm>> -> memref<65536xf32, #tpu.memory_space<hbm>>
      %dma_start3A_37 = arith.constant 0 : i32
      %dma_start3A_38 = tpu.memref_slice %arg2[%select_n3A, %dma_start3A_37] : memref<4x65536xf32, #tpu.memory_space<hbm>> -> memref<1x65536xf32, #tpu.memory_space<hbm>>
      %dma_start3A_39 = tpu.memref_squeeze %dma_start3A_38 : memref<1x65536xf32, #tpu.memory_space<hbm>> -> memref<65536xf32, #tpu.memory_space<hbm>>
      tpu.enqueue_dma source(%dma_start3A_39 : memref<65536xf32, #tpu.memory_space<hbm>>) target(%arg6 : memref<65536xf32, #tpu.memory_space<vmem>>) target_semaphore(%run_scoped3A : memref<!tpu.dma_semaphore, #tpu.memory_space<semaphore_mem>>)
      %dma_wait3A = arith.constant 0 : i32
      %dma_wait3A_40 = tpu.memref_slice %arg2[%select_n3A, %dma_wait3A] : memref<4x65536xf32, #tpu.memory_space<hbm>> -> memref<1x65536xf32, #tpu.memory_space<hbm>>
      %dma_wait3A_41 = tpu.memref_squeeze %dma_wait3A_40 : memref<1x65536xf32, #tpu.memory_space<hbm>> -> memref<65536xf32, #tpu.memory_space<hbm>>
      %dma_wait3A_42 = arith.constant 0 : i32
      %dma_wait3A_43 = tpu.memref_slice %arg2[%select_n3A, %dma_wait3A_42] : memref<4x65536xf32, #tpu.memory_space<hbm>> -> memref<1x65536xf32, #tpu.memory_space<hbm>>
      %dma_wait3A_44 = tpu.memref_squeeze %dma_wait3A_43 : memref<1x65536xf32, #tpu.memory_space<hbm>> -> memref<65536xf32, #tpu.memory_space<hbm>>
      tpu.wait_dma2 semaphore(%run_scoped3A : memref<!tpu.dma_semaphore, #tpu.memory_space<semaphore_mem>>) src(%dma_wait3A_44 : memref<65536xf32, #tpu.memory_space<hbm>>) dst(%arg6 : memref<65536xf32, #tpu.memory_space<vmem>>)
      tpu.yield
    }) : () -> ()
    %mul3A_17 = arith.constant 1024 : i32
    %mul3A_18 = arith.muli %add3A, %mul3A_17 : i32
    %mul3A_19 = arith.constant 4 : i32
    %mul3A_20 = arith.muli %mul3A_18, %mul3A_19 : i32
    "tpu.region"() ({
      %run_scoped3A = tpu.sem_alloc : memref<!tpu.dma_semaphore, #tpu.memory_space<semaphore_mem>>
      %dma_start3A = tpu.memref_slice %arg3[%mul3A_20] : memref<131072xi32, #tpu.memory_space<hbm>> -> memref<4096xi32, #tpu.memory_space<hbm>>
      %dma_start3A_35 = tpu.memref_slice %arg3[%mul3A_20] : memref<131072xi32, #tpu.memory_space<hbm>> -> memref<4096xi32, #tpu.memory_space<hbm>>
      tpu.enqueue_dma source(%dma_start3A_35 : memref<4096xi32, #tpu.memory_space<hbm>>) target(%arg7 : memref<4096xi32, #tpu.memory_space<vmem>>) target_semaphore(%run_scoped3A : memref<!tpu.dma_semaphore, #tpu.memory_space<semaphore_mem>>)
      %dma_wait3A = tpu.memref_slice %arg3[%mul3A_20] : memref<131072xi32, #tpu.memory_space<hbm>> -> memref<4096xi32, #tpu.memory_space<hbm>>
      %dma_wait3A_36 = tpu.memref_slice %arg3[%mul3A_20] : memref<131072xi32, #tpu.memory_space<hbm>> -> memref<4096xi32, #tpu.memory_space<hbm>>
      tpu.wait_dma2 semaphore(%run_scoped3A : memref<!tpu.dma_semaphore, #tpu.memory_space<semaphore_mem>>) src(%dma_wait3A_36 : memref<4096xi32, #tpu.memory_space<hbm>>) dst(%arg7 : memref<4096xi32, #tpu.memory_space<vmem>>)
      tpu.yield
    }) : () -> ()
    %mul3A_21 = arith.constant 1024 : i32
    %mul3A_22 = arith.muli %add3A, %mul3A_21 : i32
    %mul3A_23 = arith.constant 4 : i32
    %mul3A_24 = arith.muli %mul3A_22, %mul3A_23 : i32
    "tpu.region"() ({
      %run_scoped3A = tpu.sem_alloc : memref<!tpu.dma_semaphore, #tpu.memory_space<semaphore_mem>>
      %dma_start3A = tpu.memref_slice %arg4[%mul3A_24] : memref<131072xf32, #tpu.memory_space<hbm>> -> memref<4096xf32, #tpu.memory_space<hbm>>
      %dma_start3A_35 = tpu.memref_slice %arg4[%mul3A_24] : memref<131072xf32, #tpu.memory_space<hbm>> -> memref<4096xf32, #tpu.memory_space<hbm>>
      tpu.enqueue_dma source(%dma_start3A_35 : memref<4096xf32, #tpu.memory_space<hbm>>) target(%arg8 : memref<4096xf32, #tpu.memory_space<vmem>>) target_semaphore(%run_scoped3A : memref<!tpu.dma_semaphore, #tpu.memory_space<semaphore_mem>>)
      %dma_wait3A = tpu.memref_slice %arg4[%mul3A_24] : memref<131072xf32, #tpu.memory_space<hbm>> -> memref<4096xf32, #tpu.memory_space<hbm>>
      %dma_wait3A_36 = tpu.memref_slice %arg4[%mul3A_24] : memref<131072xf32, #tpu.memory_space<hbm>> -> memref<4096xf32, #tpu.memory_space<hbm>>
      tpu.wait_dma2 semaphore(%run_scoped3A : memref<!tpu.dma_semaphore, #tpu.memory_space<semaphore_mem>>) src(%dma_wait3A_36 : memref<4096xf32, #tpu.memory_space<hbm>>) dst(%arg8 : memref<4096xf32, #tpu.memory_space<vmem>>)
      tpu.yield
    }) : () -> ()
    %scan3A = arith.constant 0 : i32
    %scan3A_25 = arith.constant 0 : i32
    %scan3A_26 = arith.constant 256 : i32
    %scan3A_27 = arith.addi %scan3A_25, %scan3A_26 : i32
    %scan3A_28 = arith.constant 1 : i32
    %scan3A_29 = scf.for %scan3A_35 = %scan3A_25 to %scan3A_27 step %scan3A_28 iter_args(%scan3A_36 = %scan3A) -> (i32)  : i32 {
      %mul3A_37 = arith.constant 4 : i32
      %mul3A_38 = arith.muli %scan3A_35, %mul3A_37 : i32
      %mul3A_39 = arith.constant 4 : i32
      %mul3A_40 = arith.muli %mul3A_38, %mul3A_39 : i32
      %get3A = arith.index_cast %mul3A_40 : i32 to index
      %get3A_41 = tpu.vector_load %arg7[%get3A] {strides = array<i32>} : memref<4096xi32, #tpu.memory_space<vmem>>, vector<16xi32>,
      %get3A_42 = vector.shape_cast %get3A_41 : vector<16xi32> to vector<16xi32>
      %mul3A_43 = arith.constant 4 : i32
      %mul3A_44 = arith.muli %mul3A_38, %mul3A_43 : i32
      %get3A_45 = arith.index_cast %mul3A_44 : i32 to index
      %get3A_46 = tpu.vector_load %arg8[%get3A_45] {strides = array<i32>} : memref<4096xf32, #tpu.memory_space<vmem>>, vector<16xf32>,
      %get3A_47 = vector.shape_cast %get3A_46 : vector<16xf32> to vector<16xf32>
      %slice3A = vector.extract_strided_slice %get3A_42 {offsets = [0], sizes = [1], strides = [1]} : vector<16xi32> to vector<1xi32>
      %squeeze3A = vector.extract %slice3A[0] : i32 from vector<1xi32>
      %mul3A_48 = arith.constant 32 : i32
      %mul3A_49 = arith.muli %squeeze3A, %mul3A_48 : i32
      %slice3A_50 = vector.extract_strided_slice %get3A_42 {offsets = [1], sizes = [1], strides = [1]} : vector<16xi32> to vector<1xi32>
      %squeeze3A_51 = vector.extract %slice3A_50[0] : i32 from vector<1xi32>
      %mul3A_52 = arith.constant 32 : i32
      %mul3A_53 = arith.muli %squeeze3A_51, %mul3A_52 : i32
      %slice3A_54 = vector.extract_strided_slice %get3A_42 {offsets = [2], sizes = [1], strides = [1]} : vector<16xi32> to vector<1xi32>
      %squeeze3A_55 = vector.extract %slice3A_54[0] : i32 from vector<1xi32>
      %mul3A_56 = arith.constant 32 : i32
      %mul3A_57 = arith.muli %squeeze3A_55, %mul3A_56 : i32
      %slice3A_58 = vector.extract_strided_slice %get3A_47 {offsets = [0], sizes = [1], strides = [1]} : vector<16xf32> to vector<1xf32>
      %squeeze3A_59 = vector.extract %slice3A_58[0] : f32 from vector<1xf32>
      %slice3A_60 = vector.extract_strided_slice %get3A_47 {offsets = [1], sizes = [1], strides = [1]} : vector<16xf32> to vector<1xf32>
      %squeeze3A_61 = vector.extract %slice3A_60[0] : f32 from vector<1xf32>
      %slice3A_62 = vector.extract_strided_slice %get3A_47 {offsets = [2], sizes = [1], strides = [1]} : vector<16xf32> to vector<1xf32>
      %squeeze3A_63 = vector.extract %slice3A_62[0] : f32 from vector<1xf32>
      %get3A_64 = arith.index_cast %mul3A_49 : i32 to index
      %get3A_65 = tpu.vector_load %arg6[%get3A_64] {strides = array<i32>} : memref<65536xf32, #tpu.memory_space<vmem>>, vector<16xf32>,
      %get3A_66 = vector.shape_cast %get3A_65 : vector<16xf32> to vector<16xf32>
      %mul3A_67 = vector.broadcast %squeeze3A_59 : f32 to vector<16xf32>
      %mul3A_68 = arith.mulf %mul3A_67, %get3A_66 : vector<16xf32>
      %get3A_69 = arith.index_cast %mul3A_53 : i32 to index
      %get3A_70 = tpu.vector_load %arg6[%get3A_69] {strides = array<i32>} : memref<65536xf32, #tpu.memory_space<vmem>>, vector<16xf32>,
      %get3A_71 = vector.shape_cast %get3A_70 : vector<16xf32> to vector<16xf32>
      %mul3A_72 = vector.broadcast %squeeze3A_61 : f32 to vector<16xf32>
      %mul3A_73 = arith.mulf %mul3A_72, %get3A_71 : vector<16xf32>
      %add3A_74 = arith.addf %mul3A_68, %mul3A_73 : vector<16xf32>
      %get3A_75 = arith.index_cast %mul3A_57 : i32 to index
      %get3A_76 = tpu.vector_load %arg6[%get3A_75] {strides = array<i32>} : memref<65536xf32, #tpu.memory_space<vmem>>, vector<16xf32>,
      %get3A_77 = vector.shape_cast %get3A_76 : vector<16xf32> to vector<16xf32>
      %mul3A_78 = vector.broadcast %squeeze3A_63 : f32 to vector<16xf32>
      %mul3A_79 = arith.mulf %mul3A_78, %get3A_77 : vector<16xf32>
      %add3A_80 = arith.addf %add3A_74, %mul3A_79 : vector<16xf32>
      %add3A_81 = arith.constant 16 : i32
      %add3A_82 = arith.addi %mul3A_49, %add3A_81 : i32
      %get3A_83 = arith.index_cast %add3A_82 : i32 to index
      %get3A_84 = tpu.vector_load %arg6[%get3A_83] {strides = array<i32>} : memref<65536xf32, #tpu.memory_space<vmem>>, vector<16xf32>,
      %get3A_85 = vector.shape_cast %get3A_84 : vector<16xf32> to vector<16xf32>
      %mul3A_86 = vector.broadcast %squeeze3A_59 : f32 to vector<16xf32>
      %mul3A_87 = arith.mulf %mul3A_86, %get3A_85 : vector<16xf32>
      %add3A_88 = arith.constant 16 : i32
      %add3A_89 = arith.addi %mul3A_53, %add3A_88 : i32
      %get3A_90 = arith.index_cast %add3A_89 : i32 to index
      %get3A_91 = tpu.vector_load %arg6[%get3A_90] {strides = array<i32>} : memref<65536xf32, #tpu.memory_space<vmem>>, vector<16xf32>,
      %get3A_92 = vector.shape_cast %get3A_91 : vector<16xf32> to vector<16xf32>
      %mul3A_93 = vector.broadcast %squeeze3A_61 : f32 to vector<16xf32>
      %mul3A_94 = arith.mulf %mul3A_93, %get3A_92 : vector<16xf32>
      %add3A_95 = arith.addf %mul3A_87, %mul3A_94 : vector<16xf32>
      %add3A_96 = arith.constant 16 : i32
      %add3A_97 = arith.addi %mul3A_57, %add3A_96 : i32
      %get3A_98 = arith.index_cast %add3A_97 : i32 to index
      %get3A_99 = tpu.vector_load %arg6[%get3A_98] {strides = array<i32>} : memref<65536xf32, #tpu.memory_space<vmem>>, vector<16xf32>,
      %get3A_100 = vector.shape_cast %get3A_99 : vector<16xf32> to vector<16xf32>
      %mul3A_101 = vector.broadcast %squeeze3A_63 : f32 to vector<16xf32>
      %mul3A_102 = arith.mulf %mul3A_101, %get3A_100 : vector<16xf32>
      %add3A_103 = arith.addf %add3A_95, %mul3A_102 : vector<16xf32>
      %add3A_104 = arith.constant 0 : i32
      %add3A_105 = arith.addi %mul3A_38, %add3A_104 : i32
      %mul3A_106 = arith.constant 32 : i32
      %mul3A_107 = arith.muli %add3A_105, %mul3A_106 : i32
      %swap3A = arith.index_cast %mul3A_107 : i32 to index
      %swap3A_108 = tpu.vector_load %arg9[%swap3A] {strides = array<i32>} : memref<32768xf32, #tpu.memory_space<vmem>>, vector<16xf32>,
      %swap3A_109 = vector.shape_cast %swap3A_108 : vector<16xf32> to vector<16xf32>
      %swap3A_110 = vector.shape_cast %add3A_80 : vector<16xf32> to vector<16xf32>
      tpu.vector_store %arg9[%swap3A], %swap3A_110 {strides = array<i32>} : memref<32768xf32, #tpu.memory_space<vmem>>, vector<16xf32>,
      %add3A_111 = arith.constant 0 : i32
      %add3A_112 = arith.addi %mul3A_38, %add3A_111 : i32
      %mul3A_113 = arith.constant 32 : i32
      %mul3A_114 = arith.muli %add3A_112, %mul3A_113 : i32
      %add3A_115 = arith.constant 16 : i32
      %add3A_116 = arith.addi %mul3A_114, %add3A_115 : i32
      %swap3A_117 = arith.index_cast %add3A_116 : i32 to index
      %swap3A_118 = tpu.vector_load %arg9[%swap3A_117] {strides = array<i32>} : memref<32768xf32, #tpu.memory_space<vmem>>, vector<16xf32>,
      %swap3A_119 = vector.shape_cast %swap3A_118 : vector<16xf32> to vector<16xf32>
      %swap3A_120 = vector.shape_cast %add3A_103 : vector<16xf32> to vector<16xf32>
      tpu.vector_store %arg9[%swap3A_117], %swap3A_120 {strides = array<i32>} : memref<32768xf32, #tpu.memory_space<vmem>>, vector<16xf32>,
      %slice3A_121 = vector.extract_strided_slice %get3A_42 {offsets = [4], sizes = [1], strides = [1]} : vector<16xi32> to vector<1xi32>
      %squeeze3A_122 = vector.extract %slice3A_121[0] : i32 from vector<1xi32>
      %mul3A_123 = arith.constant 32 : i32
      %mul3A_124 = arith.muli %squeeze3A_122, %mul3A_123 : i32
      %slice3A_125 = vector.extract_strided_slice %get3A_42 {offsets = [5], sizes = [1], strides = [1]} : vector<16xi32> to vector<1xi32>
      %squeeze3A_126 = vector.extract %slice3A_125[0] : i32 from vector<1xi32>
      %mul3A_127 = arith.constant 32 : i32
      %mul3A_128 = arith.muli %squeeze3A_126, %mul3A_127 : i32
      %slice3A_129 = vector.extract_strided_slice %get3A_42 {offsets = [6], sizes = [1], strides = [1]} : vector<16xi32> to vector<1xi32>
      %squeeze3A_130 = vector.extract %slice3A_129[0] : i32 from vector<1xi32>
      %mul3A_131 = arith.constant 32 : i32
      %mul3A_132 = arith.muli %squeeze3A_130, %mul3A_131 : i32
      %slice3A_133 = vector.extract_strided_slice %get3A_47 {offsets = [4], sizes = [1], strides = [1]} : vector<16xf32> to vector<1xf32>
      %squeeze3A_134 = vector.extract %slice3A_133[0] : f32 from vector<1xf32>
      %slice3A_135 = vector.extract_strided_slice %get3A_47 {offsets = [5], sizes = [1], strides = [1]} : vector<16xf32> to vector<1xf32>
      %squeeze3A_136 = vector.extract %slice3A_135[0] : f32 from vector<1xf32>
      %slice3A_137 = vector.extract_strided_slice %get3A_47 {offsets = [6], sizes = [1], strides = [1]} : vector<16xf32> to vector<1xf32>
      %squeeze3A_138 = vector.extract %slice3A_137[0] : f32 from vector<1xf32>
      %get3A_139 = arith.index_cast %mul3A_124 : i32 to index
      %get3A_140 = tpu.vector_load %arg6[%get3A_139] {strides = array<i32>} : memref<65536xf32, #tpu.memory_space<vmem>>, vector<16xf32>,
      %get3A_141 = vector.shape_cast %get3A_140 : vector<16xf32> to vector<16xf32>
      %mul3A_142 = vector.broadcast %squeeze3A_134 : f32 to vector<16xf32>
      %mul3A_143 = arith.mulf %mul3A_142, %get3A_141 : vector<16xf32>
      %get3A_144 = arith.index_cast %mul3A_128 : i32 to index
      %get3A_145 = tpu.vector_load %arg6[%get3A_144] {strides = array<i32>} : memref<65536xf32, #tpu.memory_space<vmem>>, vector<16xf32>,
      %get3A_146 = vector.shape_cast %get3A_145 : vector<16xf32> to vector<16xf32>
      %mul3A_147 = vector.broadcast %squeeze3A_136 : f32 to vector<16xf32>
      %mul3A_148 = arith.mulf %mul3A_147, %get3A_146 : vector<16xf32>
      %add3A_149 = arith.addf %mul3A_143, %mul3A_148 : vector<16xf32>
      %get3A_150 = arith.index_cast %mul3A_132 : i32 to index
      %get3A_151 = tpu.vector_load %arg6[%get3A_150] {strides = array<i32>} : memref<65536xf32, #tpu.memory_space<vmem>>, vector<16xf32>,
      %get3A_152 = vector.shape_cast %get3A_151 : vector<16xf32> to vector<16xf32>
      %mul3A_153 = vector.broadcast %squeeze3A_138 : f32 to vector<16xf32>
      %mul3A_154 = arith.mulf %mul3A_153, %get3A_152 : vector<16xf32>
      %add3A_155 = arith.addf %add3A_149, %mul3A_154 : vector<16xf32>
      %add3A_156 = arith.constant 16 : i32
      %add3A_157 = arith.addi %mul3A_124, %add3A_156 : i32
      %get3A_158 = arith.index_cast %add3A_157 : i32 to index
      %get3A_159 = tpu.vector_load %arg6[%get3A_158] {strides = array<i32>} : memref<65536xf32, #tpu.memory_space<vmem>>, vector<16xf32>,
      %get3A_160 = vector.shape_cast %get3A_159 : vector<16xf32> to vector<16xf32>
      %mul3A_161 = vector.broadcast %squeeze3A_134 : f32 to vector<16xf32>
      %mul3A_162 = arith.mulf %mul3A_161, %get3A_160 : vector<16xf32>
      %add3A_163 = arith.constant 16 : i32
      %add3A_164 = arith.addi %mul3A_128, %add3A_163 : i32
      %get3A_165 = arith.index_cast %add3A_164 : i32 to index
      %get3A_166 = tpu.vector_load %arg6[%get3A_165] {strides = array<i32>} : memref<65536xf32, #tpu.memory_space<vmem>>, vector<16xf32>,
      %get3A_167 = vector.shape_cast %get3A_166 : vector<16xf32> to vector<16xf32>
      %mul3A_168 = vector.broadcast %squeeze3A_136 : f32 to vector<16xf32>
      %mul3A_169 = arith.mulf %mul3A_168, %get3A_167 : vector<16xf32>
      %add3A_170 = arith.addf %mul3A_162, %mul3A_169 : vector<16xf32>
      %add3A_171 = arith.constant 16 : i32
      %add3A_172 = arith.addi %mul3A_132, %add3A_171 : i32
      %get3A_173 = arith.index_cast %add3A_172 : i32 to index
      %get3A_174 = tpu.vector_load %arg6[%get3A_173] {strides = array<i32>} : memref<65536xf32, #tpu.memory_space<vmem>>, vector<16xf32>,
      %get3A_175 = vector.shape_cast %get3A_174 : vector<16xf32> to vector<16xf32>
      %mul3A_176 = vector.broadcast %squeeze3A_138 : f32 to vector<16xf32>
      %mul3A_177 = arith.mulf %mul3A_176, %get3A_175 : vector<16xf32>
      %add3A_178 = arith.addf %add3A_170, %mul3A_177 : vector<16xf32>
      %add3A_179 = arith.constant 1 : i32
      %add3A_180 = arith.addi %mul3A_38, %add3A_179 : i32
      %mul3A_181 = arith.constant 32 : i32
      %mul3A_182 = arith.muli %add3A_180, %mul3A_181 : i32
      %swap3A_183 = arith.index_cast %mul3A_182 : i32 to index
      %swap3A_184 = tpu.vector_load %arg9[%swap3A_183] {strides = array<i32>} : memref<32768xf32, #tpu.memory_space<vmem>>, vector<16xf32>,
      %swap3A_185 = vector.shape_cast %swap3A_184 : vector<16xf32> to vector<16xf32>
      %swap3A_186 = vector.shape_cast %add3A_155 : vector<16xf32> to vector<16xf32>
      tpu.vector_store %arg9[%swap3A_183], %swap3A_186 {strides = array<i32>} : memref<32768xf32, #tpu.memory_space<vmem>>, vector<16xf32>,
      %add3A_187 = arith.constant 1 : i32
      %add3A_188 = arith.addi %mul3A_38, %add3A_187 : i32
      %mul3A_189 = arith.constant 32 : i32
      %mul3A_190 = arith.muli %add3A_188, %mul3A_189 : i32
      %add3A_191 = arith.constant 16 : i32
      %add3A_192 = arith.addi %mul3A_190, %add3A_191 : i32
      %swap3A_193 = arith.index_cast %add3A_192 : i32 to index
      %swap3A_194 = tpu.vector_load %arg9[%swap3A_193] {strides = array<i32>} : memref<32768xf32, #tpu.memory_space<vmem>>, vector<16xf32>,
      %swap3A_195 = vector.shape_cast %swap3A_194 : vector<16xf32> to vector<16xf32>
      %swap3A_196 = vector.shape_cast %add3A_178 : vector<16xf32> to vector<16xf32>
      tpu.vector_store %arg9[%swap3A_193], %swap3A_196 {strides = array<i32>} : memref<32768xf32, #tpu.memory_space<vmem>>, vector<16xf32>,
      %slice3A_197 = vector.extract_strided_slice %get3A_42 {offsets = [8], sizes = [1], strides = [1]} : vector<16xi32> to vector<1xi32>
      %squeeze3A_198 = vector.extract %slice3A_197[0] : i32 from vector<1xi32>
      %mul3A_199 = arith.constant 32 : i32
      %mul3A_200 = arith.muli %squeeze3A_198, %mul3A_199 : i32
      %slice3A_201 = vector.extract_strided_slice %get3A_42 {offsets = [9], sizes = [1], strides = [1]} : vector<16xi32> to vector<1xi32>
      %squeeze3A_202 = vector.extract %slice3A_201[0] : i32 from vector<1xi32>
      %mul3A_203 = arith.constant 32 : i32
      %mul3A_204 = arith.muli %squeeze3A_202, %mul3A_203 : i32
      %slice3A_205 = vector.extract_strided_slice %get3A_42 {offsets = [10], sizes = [1], strides = [1]} : vector<16xi32> to vector<1xi32>
      %squeeze3A_206 = vector.extract %slice3A_205[0] : i32 from vector<1xi32>
      %mul3A_207 = arith.constant 32 : i32
      %mul3A_208 = arith.muli %squeeze3A_206, %mul3A_207 : i32
      %slice3A_209 = vector.extract_strided_slice %get3A_47 {offsets = [8], sizes = [1], strides = [1]} : vector<16xf32> to vector<1xf32>
      %squeeze3A_210 = vector.extract %slice3A_209[0] : f32 from vector<1xf32>
      %slice3A_211 = vector.extract_strided_slice %get3A_47 {offsets = [9], sizes = [1], strides = [1]} : vector<16xf32> to vector<1xf32>
      %squeeze3A_212 = vector.extract %slice3A_211[0] : f32 from vector<1xf32>
      %slice3A_213 = vector.extract_strided_slice %get3A_47 {offsets = [10], sizes = [1], strides = [1]} : vector<16xf32> to vector<1xf32>
      %squeeze3A_214 = vector.extract %slice3A_213[0] : f32 from vector<1xf32>
      %get3A_215 = arith.index_cast %mul3A_200 : i32 to index
      %get3A_216 = tpu.vector_load %arg6[%get3A_215] {strides = array<i32>} : memref<65536xf32, #tpu.memory_space<vmem>>, vector<16xf32>,
      %get3A_217 = vector.shape_cast %get3A_216 : vector<16xf32> to vector<16xf32>
      %mul3A_218 = vector.broadcast %squeeze3A_210 : f32 to vector<16xf32>
      %mul3A_219 = arith.mulf %mul3A_218, %get3A_217 : vector<16xf32>
      %get3A_220 = arith.index_cast %mul3A_204 : i32 to index
      %get3A_221 = tpu.vector_load %arg6[%get3A_220] {strides = array<i32>} : memref<65536xf32, #tpu.memory_space<vmem>>, vector<16xf32>,
      %get3A_222 = vector.shape_cast %get3A_221 : vector<16xf32> to vector<16xf32>
      %mul3A_223 = vector.broadcast %squeeze3A_212 : f32 to vector<16xf32>
      %mul3A_224 = arith.mulf %mul3A_223, %get3A_222 : vector<16xf32>
      %add3A_225 = arith.addf %mul3A_219, %mul3A_224 : vector<16xf32>
      %get3A_226 = arith.index_cast %mul3A_208 : i32 to index
      %get3A_227 = tpu.vector_load %arg6[%get3A_226] {strides = array<i32>} : memref<65536xf32, #tpu.memory_space<vmem>>, vector<16xf32>,
      %get3A_228 = vector.shape_cast %get3A_227 : vector<16xf32> to vector<16xf32>
      %mul3A_229 = vector.broadcast %squeeze3A_214 : f32 to vector<16xf32>
      %mul3A_230 = arith.mulf %mul3A_229, %get3A_228 : vector<16xf32>
      %add3A_231 = arith.addf %add3A_225, %mul3A_230 : vector<16xf32>
      %add3A_232 = arith.constant 16 : i32
      %add3A_233 = arith.addi %mul3A_200, %add3A_232 : i32
      %get3A_234 = arith.index_cast %add3A_233 : i32 to index
      %get3A_235 = tpu.vector_load %arg6[%get3A_234] {strides = array<i32>} : memref<65536xf32, #tpu.memory_space<vmem>>, vector<16xf32>,
      %get3A_236 = vector.shape_cast %get3A_235 : vector<16xf32> to vector<16xf32>
      %mul3A_237 = vector.broadcast %squeeze3A_210 : f32 to vector<16xf32>
      %mul3A_238 = arith.mulf %mul3A_237, %get3A_236 : vector<16xf32>
      %add3A_239 = arith.constant 16 : i32
      %add3A_240 = arith.addi %mul3A_204, %add3A_239 : i32
      %get3A_241 = arith.index_cast %add3A_240 : i32 to index
      %get3A_242 = tpu.vector_load %arg6[%get3A_241] {strides = array<i32>} : memref<65536xf32, #tpu.memory_space<vmem>>, vector<16xf32>,
      %get3A_243 = vector.shape_cast %get3A_242 : vector<16xf32> to vector<16xf32>
      %mul3A_244 = vector.broadcast %squeeze3A_212 : f32 to vector<16xf32>
      %mul3A_245 = arith.mulf %mul3A_244, %get3A_243 : vector<16xf32>
      %add3A_246 = arith.addf %mul3A_238, %mul3A_245 : vector<16xf32>
      %add3A_247 = arith.constant 16 : i32
      %add3A_248 = arith.addi %mul3A_208, %add3A_247 : i32
      %get3A_249 = arith.index_cast %add3A_248 : i32 to index
      %get3A_250 = tpu.vector_load %arg6[%get3A_249] {strides = array<i32>} : memref<65536xf32, #tpu.memory_space<vmem>>, vector<16xf32>,
      %get3A_251 = vector.shape_cast %get3A_250 : vector<16xf32> to vector<16xf32>
      %mul3A_252 = vector.broadcast %squeeze3A_214 : f32 to vector<16xf32>
      %mul3A_253 = arith.mulf %mul3A_252, %get3A_251 : vector<16xf32>
      %add3A_254 = arith.addf %add3A_246, %mul3A_253 : vector<16xf32>
      %add3A_255 = arith.constant 2 : i32
      %add3A_256 = arith.addi %mul3A_38, %add3A_255 : i32
      %mul3A_257 = arith.constant 32 : i32
      %mul3A_258 = arith.muli %add3A_256, %mul3A_257 : i32
      %swap3A_259 = arith.index_cast %mul3A_258 : i32 to index
      %swap3A_260 = tpu.vector_load %arg9[%swap3A_259] {strides = array<i32>} : memref<32768xf32, #tpu.memory_space<vmem>>, vector<16xf32>,
      %swap3A_261 = vector.shape_cast %swap3A_260 : vector<16xf32> to vector<16xf32>
      %swap3A_262 = vector.shape_cast %add3A_231 : vector<16xf32> to vector<16xf32>
      tpu.vector_store %arg9[%swap3A_259], %swap3A_262 {strides = array<i32>} : memref<32768xf32, #tpu.memory_space<vmem>>, vector<16xf32>,
      %add3A_263 = arith.constant 2 : i32
      %add3A_264 = arith.addi %mul3A_38, %add3A_263 : i32
      %mul3A_265 = arith.constant 32 : i32
      %mul3A_266 = arith.muli %add3A_264, %mul3A_265 : i32
      %add3A_267 = arith.constant 16 : i32
      %add3A_268 = arith.addi %mul3A_266, %add3A_267 : i32
      %swap3A_269 = arith.index_cast %add3A_268 : i32 to index
      %swap3A_270 = tpu.vector_load %arg9[%swap3A_269] {strides = array<i32>} : memref<32768xf32, #tpu.memory_space<vmem>>, vector<16xf32>,
      %swap3A_271 = vector.shape_cast %swap3A_270 : vector<16xf32> to vector<16xf32>
      %swap3A_272 = vector.shape_cast %add3A_254 : vector<16xf32> to vector<16xf32>
      tpu.vector_store %arg9[%swap3A_269], %swap3A_272 {strides = array<i32>} : memref<32768xf32, #tpu.memory_space<vmem>>, vector<16xf32>,
      %slice3A_273 = vector.extract_strided_slice %get3A_42 {offsets = [12], sizes = [1], strides = [1]} : vector<16xi32> to vector<1xi32>
      %squeeze3A_274 = vector.extract %slice3A_273[0] : i32 from vector<1xi32>
      %mul3A_275 = arith.constant 32 : i32
      %mul3A_276 = arith.muli %squeeze3A_274, %mul3A_275 : i32
      %slice3A_277 = vector.extract_strided_slice %get3A_42 {offsets = [13], sizes = [1], strides = [1]} : vector<16xi32> to vector<1xi32>
      %squeeze3A_278 = vector.extract %slice3A_277[0] : i32 from vector<1xi32>
      %mul3A_279 = arith.constant 32 : i32
      %mul3A_280 = arith.muli %squeeze3A_278, %mul3A_279 : i32
      %slice3A_281 = vector.extract_strided_slice %get3A_42 {offsets = [14], sizes = [1], strides = [1]} : vector<16xi32> to vector<1xi32>
      %squeeze3A_282 = vector.extract %slice3A_281[0] : i32 from vector<1xi32>
      %mul3A_283 = arith.constant 32 : i32
      %mul3A_284 = arith.muli %squeeze3A_282, %mul3A_283 : i32
      %slice3A_285 = vector.extract_strided_slice %get3A_47 {offsets = [12], sizes = [1], strides = [1]} : vector<16xf32> to vector<1xf32>
      %squeeze3A_286 = vector.extract %slice3A_285[0] : f32 from vector<1xf32>
      %slice3A_287 = vector.extract_strided_slice %get3A_47 {offsets = [13], sizes = [1], strides = [1]} : vector<16xf32> to vector<1xf32>
      %squeeze3A_288 = vector.extract %slice3A_287[0] : f32 from vector<1xf32>
      %slice3A_289 = vector.extract_strided_slice %get3A_47 {offsets = [14], sizes = [1], strides = [1]} : vector<16xf32> to vector<1xf32>
      %squeeze3A_290 = vector.extract %slice3A_289[0] : f32 from vector<1xf32>
      %get3A_291 = arith.index_cast %mul3A_276 : i32 to index
      %get3A_292 = tpu.vector_load %arg6[%get3A_291] {strides = array<i32>} : memref<65536xf32, #tpu.memory_space<vmem>>, vector<16xf32>,
      %get3A_293 = vector.shape_cast %get3A_292 : vector<16xf32> to vector<16xf32>
      %mul3A_294 = vector.broadcast %squeeze3A_286 : f32 to vector<16xf32>
      %mul3A_295 = arith.mulf %mul3A_294, %get3A_293 : vector<16xf32>
      %get3A_296 = arith.index_cast %mul3A_280 : i32 to index
      %get3A_297 = tpu.vector_load %arg6[%get3A_296] {strides = array<i32>} : memref<65536xf32, #tpu.memory_space<vmem>>, vector<16xf32>,
      %get3A_298 = vector.shape_cast %get3A_297 : vector<16xf32> to vector<16xf32>
      %mul3A_299 = vector.broadcast %squeeze3A_288 : f32 to vector<16xf32>
      %mul3A_300 = arith.mulf %mul3A_299, %get3A_298 : vector<16xf32>
      %add3A_301 = arith.addf %mul3A_295, %mul3A_300 : vector<16xf32>
      %get3A_302 = arith.index_cast %mul3A_284 : i32 to index
      %get3A_303 = tpu.vector_load %arg6[%get3A_302] {strides = array<i32>} : memref<65536xf32, #tpu.memory_space<vmem>>, vector<16xf32>,
      %get3A_304 = vector.shape_cast %get3A_303 : vector<16xf32> to vector<16xf32>
      %mul3A_305 = vector.broadcast %squeeze3A_290 : f32 to vector<16xf32>
      %mul3A_306 = arith.mulf %mul3A_305, %get3A_304 : vector<16xf32>
      %add3A_307 = arith.addf %add3A_301, %mul3A_306 : vector<16xf32>
      %add3A_308 = arith.constant 16 : i32
      %add3A_309 = arith.addi %mul3A_276, %add3A_308 : i32
      %get3A_310 = arith.index_cast %add3A_309 : i32 to index
      %get3A_311 = tpu.vector_load %arg6[%get3A_310] {strides = array<i32>} : memref<65536xf32, #tpu.memory_space<vmem>>, vector<16xf32>,
      %get3A_312 = vector.shape_cast %get3A_311 : vector<16xf32> to vector<16xf32>
      %mul3A_313 = vector.broadcast %squeeze3A_286 : f32 to vector<16xf32>
      %mul3A_314 = arith.mulf %mul3A_313, %get3A_312 : vector<16xf32>
      %add3A_315 = arith.constant 16 : i32
      %add3A_316 = arith.addi %mul3A_280, %add3A_315 : i32
      %get3A_317 = arith.index_cast %add3A_316 : i32 to index
      %get3A_318 = tpu.vector_load %arg6[%get3A_317] {strides = array<i32>} : memref<65536xf32, #tpu.memory_space<vmem>>, vector<16xf32>,
      %get3A_319 = vector.shape_cast %get3A_318 : vector<16xf32> to vector<16xf32>
      %mul3A_320 = vector.broadcast %squeeze3A_288 : f32 to vector<16xf32>
      %mul3A_321 = arith.mulf %mul3A_320, %get3A_319 : vector<16xf32>
      %add3A_322 = arith.addf %mul3A_314, %mul3A_321 : vector<16xf32>
      %add3A_323 = arith.constant 16 : i32
      %add3A_324 = arith.addi %mul3A_284, %add3A_323 : i32
      %get3A_325 = arith.index_cast %add3A_324 : i32 to index
      %get3A_326 = tpu.vector_load %arg6[%get3A_325] {strides = array<i32>} : memref<65536xf32, #tpu.memory_space<vmem>>, vector<16xf32>,
      %get3A_327 = vector.shape_cast %get3A_326 : vector<16xf32> to vector<16xf32>
      %mul3A_328 = vector.broadcast %squeeze3A_290 : f32 to vector<16xf32>
      %mul3A_329 = arith.mulf %mul3A_328, %get3A_327 : vector<16xf32>
      %add3A_330 = arith.addf %add3A_322, %mul3A_329 : vector<16xf32>
      %add3A_331 = arith.constant 3 : i32
      %add3A_332 = arith.addi %mul3A_38, %add3A_331 : i32
      %mul3A_333 = arith.constant 32 : i32
      %mul3A_334 = arith.muli %add3A_332, %mul3A_333 : i32
      %swap3A_335 = arith.index_cast %mul3A_334 : i32 to index
      %swap3A_336 = tpu.vector_load %arg9[%swap3A_335] {strides = array<i32>} : memref<32768xf32, #tpu.memory_space<vmem>>, vector<16xf32>,
      %swap3A_337 = vector.shape_cast %swap3A_336 : vector<16xf32> to vector<16xf32>
      %swap3A_338 = vector.shape_cast %add3A_307 : vector<16xf32> to vector<16xf32>
      tpu.vector_store %arg9[%swap3A_335], %swap3A_338 {strides = array<i32>} : memref<32768xf32, #tpu.memory_space<vmem>>, vector<16xf32>,
      %add3A_339 = arith.constant 3 : i32
      %add3A_340 = arith.addi %mul3A_38, %add3A_339 : i32
      %mul3A_341 = arith.constant 32 : i32
      %mul3A_342 = arith.muli %add3A_340, %mul3A_341 : i32
      %add3A_343 = arith.constant 16 : i32
      %add3A_344 = arith.addi %mul3A_342, %add3A_343 : i32
      %swap3A_345 = arith.index_cast %add3A_344 : i32 to index
      %swap3A_346 = tpu.vector_load %arg9[%swap3A_345] {strides = array<i32>} : memref<32768xf32, #tpu.memory_space<vmem>>, vector<16xf32>,
      %swap3A_347 = vector.shape_cast %swap3A_346 : vector<16xf32> to vector<16xf32>
      %swap3A_348 = vector.shape_cast %add3A_330 : vector<16xf32> to vector<16xf32>
      tpu.vector_store %arg9[%swap3A_345], %swap3A_348 {strides = array<i32>} : memref<32768xf32, #tpu.memory_space<vmem>>, vector<16xf32>,
      %scan3A_349 = arith.constant 0 : i32
      scf.yield %scan3A_349 : i32
    }
    %scan3A_30 = arith.constant 256 : i32
    %mul3A_31 = arith.constant 1024 : i32
    %mul3A_32 = arith.muli %add3A, %mul3A_31 : i32
    %mul3A_33 = arith.constant 32 : i32
    %mul3A_34 = arith.muli %mul3A_32, %mul3A_33 : i32
    "tpu.region"() ({
      %run_scoped3A = tpu.sem_alloc : memref<!tpu.dma_semaphore, #tpu.memory_space<semaphore_mem>>
      %dma_start3A = tpu.memref_slice %arg5[%mul3A_34] : memref<1048576xf32, #tpu.memory_space<hbm>> -> memref<32768xf32, #tpu.memory_space<hbm>>
      %dma_start3A_35 = tpu.memref_slice %arg5[%mul3A_34] : memref<1048576xf32, #tpu.memory_space<hbm>> -> memref<32768xf32, #tpu.memory_space<hbm>>
      tpu.enqueue_dma source(%arg9 : memref<32768xf32, #tpu.memory_space<vmem>>) target(%dma_start3A_35 : memref<32768xf32, #tpu.memory_space<hbm>>) target_semaphore(%run_scoped3A : memref<!tpu.dma_semaphore, #tpu.memory_space<semaphore_mem>>)
      %dma_wait3A = tpu.memref_slice %arg5[%mul3A_34] : memref<1048576xf32, #tpu.memory_space<hbm>> -> memref<32768xf32, #tpu.memory_space<hbm>>
      %dma_wait3A_36 = tpu.memref_slice %arg5[%mul3A_34] : memref<1048576xf32, #tpu.memory_space<hbm>> -> memref<32768xf32, #tpu.memory_space<hbm>>
      tpu.wait_dma2 semaphore(%run_scoped3A : memref<!tpu.dma_semaphore, #tpu.memory_space<semaphore_mem>>) src(%arg9 : memref<32768xf32, #tpu.memory_space<vmem>>) dst(%dma_wait3A_36 : memref<32768xf32, #tpu.memory_space<hbm>>)
      tpu.yield
    }) : () -> ()
    return
  }
}

module attributes {stable_mosaic.version = 14 : i64} {
  func.func @_stage_a1(%arg0: i32, %arg1: i32, %arg2: memref<1x1024x3xf32, #tpu.memory_space<vmem>>, %arg3: memref<1x3x2048xf32, #tpu.memory_space<vmem>>, %arg4: memref<1x1024x4xi32, #tpu.memory_space<vmem>>, %arg5: memref<1x1024x4xf32, #tpu.memory_space<vmem>>) attributes {dimension_semantics = [#tpu.dimension_semantics<arbitrary>, #tpu.dimension_semantics<arbitrary>], iteration_bounds = array<i64: 4, 8>, scalar_prefetch = 0 : i64, scratch_operands = 0 : i64, tpu.core_type = #tpu.core_type<tc>, window_params = [{transform_indices = @transform_0, window_bounds = array<i64: 1, 1024, 3>}, {transform_indices = @transform_1, window_bounds = array<i64: 1, 3, 2048>}, {transform_indices = @transform_2, window_bounds = array<i64: 1, 1024, 4>}, {transform_indices = @transform_3, window_bounds = array<i64: 1, 1024, 4>}]} {
    %get3A = arith.constant 0 : index
    %get3A_0 = arith.constant 0 : index
    %get3A_1 = arith.constant 0 : index
    %get3A_2 = vector.load %arg2[%get3A, %get3A_0, %get3A_1] : memref<1x1024x3xf32, #tpu.memory_space<vmem>>, vector<1x1024x3xf32>
    %get3A_3 = vector.shape_cast %get3A_2 : vector<1x1024x3xf32> to vector<1024x3xf32>
    %get3A_4 = arith.constant 0 : index
    %get3A_5 = arith.constant 0 : index
    %get3A_6 = arith.constant 0 : index
    %get3A_7 = vector.load %arg3[%get3A_4, %get3A_5, %get3A_6] : memref<1x3x2048xf32, #tpu.memory_space<vmem>>, vector<1x3x2048xf32>
    %get3A_8 = vector.shape_cast %get3A_7 : vector<1x3x2048xf32> to vector<3x2048xf32>
    %convert_element_type3A = arith.truncf %get3A_3 : vector<1024x3xf32> to vector<1024x3xbf16>
    %convert_element_type3A_9 = arith.truncf %get3A_8 : vector<3x2048xf32> to vector<3x2048xbf16>
    %dot_general3A = arith.constant dense<0.000000e+00> : vector<1024x2048xf32>
    %dot_general3A_10 = tpu.matmul %convert_element_type3A, %convert_element_type3A_9, %dot_general3A {dimension_numbers = #tpu.dot_dimension_numbers<[1], [0], [0], [1], [0, 0, 1, 1], [], []>, transpose_lhs_hint = false} : vector<1024x3xbf16>, vector<3x2048xbf16>, vector<1024x2048xf32> -> vector<1024x2048xf32>
    %slice3A = vector.extract_strided_slice %get3A_3 {offsets = [0, 0], sizes = [1024, 1], strides = [1, 1]} : vector<1024x3xf32> to vector<1024x1xf32>
    %slice3A_11 = vector.extract_strided_slice %get3A_3 {offsets = [0, 0], sizes = [1024, 1], strides = [1, 1]} : vector<1024x3xf32> to vector<1024x1xf32>
    %mul3A = arith.mulf %slice3A, %slice3A_11 : vector<1024x1xf32>
    %slice3A_12 = vector.extract_strided_slice %get3A_3 {offsets = [0, 1], sizes = [1024, 1], strides = [1, 1]} : vector<1024x3xf32> to vector<1024x1xf32>
    %slice3A_13 = vector.extract_strided_slice %get3A_3 {offsets = [0, 1], sizes = [1024, 1], strides = [1, 1]} : vector<1024x3xf32> to vector<1024x1xf32>
    %mul3A_14 = arith.mulf %slice3A_12, %slice3A_13 : vector<1024x1xf32>
    %add3A = arith.addf %mul3A, %mul3A_14 : vector<1024x1xf32>
    %slice3A_15 = vector.extract_strided_slice %get3A_3 {offsets = [0, 2], sizes = [1024, 1], strides = [1, 1]} : vector<1024x3xf32> to vector<1024x1xf32>
    %slice3A_16 = vector.extract_strided_slice %get3A_3 {offsets = [0, 2], sizes = [1024, 1], strides = [1, 1]} : vector<1024x3xf32> to vector<1024x1xf32>
    %mul3A_17 = arith.mulf %slice3A_15, %slice3A_16 : vector<1024x1xf32>
    %add3A_18 = arith.addf %add3A, %mul3A_17 : vector<1024x1xf32>
    %slice3A_19 = vector.extract_strided_slice %get3A_8 {offsets = [0, 0], sizes = [1, 2048], strides = [1, 1]} : vector<3x2048xf32> to vector<1x2048xf32>
    %slice3A_20 = vector.extract_strided_slice %get3A_8 {offsets = [0, 0], sizes = [1, 2048], strides = [1, 1]} : vector<3x2048xf32> to vector<1x2048xf32>
    %mul3A_21 = arith.mulf %slice3A_19, %slice3A_20 : vector<1x2048xf32>
    %slice3A_22 = vector.extract_strided_slice %get3A_8 {offsets = [1, 0], sizes = [1, 2048], strides = [1, 1]} : vector<3x2048xf32> to vector<1x2048xf32>
    %slice3A_23 = vector.extract_strided_slice %get3A_8 {offsets = [1, 0], sizes = [1, 2048], strides = [1, 1]} : vector<3x2048xf32> to vector<1x2048xf32>
    %mul3A_24 = arith.mulf %slice3A_22, %slice3A_23 : vector<1x2048xf32>
    %add3A_25 = arith.addf %mul3A_21, %mul3A_24 : vector<1x2048xf32>
    %slice3A_26 = vector.extract_strided_slice %get3A_8 {offsets = [2, 0], sizes = [1, 2048], strides = [1, 1]} : vector<3x2048xf32> to vector<1x2048xf32>
    %slice3A_27 = vector.extract_strided_slice %get3A_8 {offsets = [2, 0], sizes = [1, 2048], strides = [1, 1]} : vector<3x2048xf32> to vector<1x2048xf32>
    %mul3A_28 = arith.mulf %slice3A_26, %slice3A_27 : vector<1x2048xf32>
    %add3A_29 = arith.addf %add3A_25, %mul3A_28 : vector<1x2048xf32>
    %add3A_30 = vector.broadcast %add3A_18 : vector<1024x1xf32> to vector<1024x2048xf32>
    %add3A_31 = vector.broadcast %add3A_29 : vector<1x2048xf32> to vector<1024x2048xf32>
    %add3A_32 = arith.addf %add3A_30, %add3A_31 : vector<1024x2048xf32>
    %mul3A_33 = arith.constant 2.000000e+00 : f32
    %mul3A_34 = vector.broadcast %mul3A_33 : f32 to vector<1024x2048xf32>
    %mul3A_35 = arith.mulf %mul3A_34, %dot_general3A_10 : vector<1024x2048xf32>
    %sub3A = arith.subf %add3A_32, %mul3A_35 : vector<1024x2048xf32>
    %max3A = arith.constant 0.000000e+00 : f32
    %max3A_36 = vector.broadcast %max3A : f32 to vector<1024x2048xf32>
    %max3A_37 = arith.maximumf %sub3A, %max3A_36 : vector<1024x2048xf32>
    %iota3A = tpu.iota {dimensions = array<i32: 1>} : vector<1024x2048xi32>
    %convert_element_type3A_38 = arith.sitofp %iota3A : vector<1024x2048xi32> to vector<1024x2048xf32>
    %reduce_min3A = arith.constant dense<0x7F800000> : vector<1024xf32>
    %reduce_min3A_39 = vector.multi_reduction <minimumf>, %max3A_37, %reduce_min3A [1] : vector<1024x2048xf32> to vector<1024xf32>
    %broadcast_in_dim3A = vector.shape_cast %reduce_min3A_39 : vector<1024xf32> to vector<1024x1xf32>
    %eq3A = vector.broadcast %broadcast_in_dim3A : vector<1024x1xf32> to vector<1024x2048xf32>
    %eq3A_40 = arith.cmpf oeq, %max3A_37, %eq3A : vector<1024x2048xf32>
    %jit3A = arith.constant 2.048000e+03 : f32
    %broadcast_in_dim3A_41 = vector.broadcast %jit3A : f32 to vector<1024x2048xf32>
    %select_n3A = arith.select %eq3A_40, %convert_element_type3A_38, %broadcast_in_dim3A_41 : vector<1024x2048xi1>, vector<1024x2048xf32>
    %reduce_min3A_42 = arith.constant dense<0x7F800000> : vector<1024xf32>
    %reduce_min3A_43 = vector.multi_reduction <minimumf>, %select_n3A, %reduce_min3A_42 [1] : vector<1024x2048xf32> to vector<1024xf32>
    %broadcast_in_dim3A_44 = vector.shape_cast %reduce_min3A_43 : vector<1024xf32> to vector<1024x1xf32>
    %eq3A_45 = vector.broadcast %broadcast_in_dim3A_44 : vector<1024x1xf32> to vector<1024x2048xf32>
    %eq3A_46 = arith.cmpf oeq, %convert_element_type3A_38, %eq3A_45 : vector<1024x2048xf32>
    %jit3A_47 = arith.constant 0x7F800000 : f32
    %broadcast_in_dim3A_48 = vector.broadcast %jit3A_47 : f32 to vector<1024x2048xf32>
    %select_n3A_49 = arith.select %eq3A_46, %broadcast_in_dim3A_48, %max3A_37 : vector<1024x2048xi1>, vector<1024x2048xf32>
    %reduce_min3A_50 = arith.constant dense<0x7F800000> : vector<1024xf32>
    %reduce_min3A_51 = vector.multi_reduction <minimumf>, %select_n3A_49, %reduce_min3A_50 [1] : vector<1024x2048xf32> to vector<1024xf32>
    %broadcast_in_dim3A_52 = vector.shape_cast %reduce_min3A_51 : vector<1024xf32> to vector<1024x1xf32>
    %eq3A_53 = vector.broadcast %broadcast_in_dim3A_52 : vector<1024x1xf32> to vector<1024x2048xf32>
    %eq3A_54 = arith.cmpf oeq, %select_n3A_49, %eq3A_53 : vector<1024x2048xf32>
    %jit3A_55 = arith.constant 2.048000e+03 : f32
    %broadcast_in_dim3A_56 = vector.broadcast %jit3A_55 : f32 to vector<1024x2048xf32>
    %select_n3A_57 = arith.select %eq3A_54, %convert_element_type3A_38, %broadcast_in_dim3A_56 : vector<1024x2048xi1>, vector<1024x2048xf32>
    %reduce_min3A_58 = arith.constant dense<0x7F800000> : vector<1024xf32>
    %reduce_min3A_59 = vector.multi_reduction <minimumf>, %select_n3A_57, %reduce_min3A_58 [1] : vector<1024x2048xf32> to vector<1024xf32>
    %broadcast_in_dim3A_60 = vector.shape_cast %reduce_min3A_59 : vector<1024xf32> to vector<1024x1xf32>
    %eq3A_61 = vector.broadcast %broadcast_in_dim3A_60 : vector<1024x1xf32> to vector<1024x2048xf32>
    %eq3A_62 = arith.cmpf oeq, %convert_element_type3A_38, %eq3A_61 : vector<1024x2048xf32>
    %jit3A_63 = arith.constant 0x7F800000 : f32
    %broadcast_in_dim3A_64 = vector.broadcast %jit3A_63 : f32 to vector<1024x2048xf32>
    %select_n3A_65 = arith.select %eq3A_62, %broadcast_in_dim3A_64, %select_n3A_49 : vector<1024x2048xi1>, vector<1024x2048xf32>
    %reduce_min3A_66 = arith.constant dense<0x7F800000> : vector<1024xf32>
    %reduce_min3A_67 = vector.multi_reduction <minimumf>, %select_n3A_65, %reduce_min3A_66 [1] : vector<1024x2048xf32> to vector<1024xf32>
    %broadcast_in_dim3A_68 = vector.shape_cast %reduce_min3A_67 : vector<1024xf32> to vector<1024x1xf32>
    %eq3A_69 = vector.broadcast %broadcast_in_dim3A_68 : vector<1024x1xf32> to vector<1024x2048xf32>
    %eq3A_70 = arith.cmpf oeq, %select_n3A_65, %eq3A_69 : vector<1024x2048xf32>
    %jit3A_71 = arith.constant 2.048000e+03 : f32
    %broadcast_in_dim3A_72 = vector.broadcast %jit3A_71 : f32 to vector<1024x2048xf32>
    %select_n3A_73 = arith.select %eq3A_70, %convert_element_type3A_38, %broadcast_in_dim3A_72 : vector<1024x2048xi1>, vector<1024x2048xf32>
    %reduce_min3A_74 = arith.constant dense<0x7F800000> : vector<1024xf32>
    %reduce_min3A_75 = vector.multi_reduction <minimumf>, %select_n3A_73, %reduce_min3A_74 [1] : vector<1024x2048xf32> to vector<1024xf32>
    %broadcast_in_dim3A_76 = vector.shape_cast %reduce_min3A_75 : vector<1024xf32> to vector<1024x1xf32>
    %broadcast_in_dim3A_77 = arith.constant 0.000000e+00 : f32
    %broadcast_in_dim3A_78 = vector.broadcast %broadcast_in_dim3A_77 : f32 to vector<1024x1xf32>
    %concatenate3A = tpu.concatenate %broadcast_in_dim3A_44, %broadcast_in_dim3A_60, %broadcast_in_dim3A_76, %broadcast_in_dim3A_78 in 1 : vector<1024x1xf32>, vector<1024x1xf32>, vector<1024x1xf32>, vector<1024x1xf32> -> vector<1024x4xf32>
    %convert_element_type3A_79 = arith.fptosi %concatenate3A : vector<1024x4xf32> to vector<1024x4xi32>
    %swap3A = arith.constant 0 : index
    %swap3A_80 = arith.constant 0 : index
    %swap3A_81 = arith.constant 0 : index
    %swap3A_82 = vector.load %arg4[%swap3A, %swap3A_80, %swap3A_81] : memref<1x1024x4xi32, #tpu.memory_space<vmem>>, vector<1x1024x4xi32>
    %swap3A_83 = vector.shape_cast %swap3A_82 : vector<1x1024x4xi32> to vector<1024x4xi32>
    %swap3A_84 = vector.shape_cast %convert_element_type3A_79 : vector<1024x4xi32> to vector<1x1024x4xi32>
    tpu.vector_store %arg4[%swap3A, %swap3A_80, %swap3A_81], %swap3A_84 {strides = array<i32>} : memref<1x1024x4xi32, #tpu.memory_space<vmem>>, vector<1x1024x4xi32>,
    %sqrt3A = math.sqrt %broadcast_in_dim3A : vector<1024x1xf32>
    %add3A_85 = arith.constant 1.000000e-10 : f32
    %add3A_86 = vector.broadcast %add3A_85 : f32 to vector<1024x1xf32>
    %add3A_87 = arith.addf %sqrt3A, %add3A_86 : vector<1024x1xf32>
    %div3A = arith.constant 1.000000e+00 : f32
    %div3A_88 = vector.broadcast %div3A : f32 to vector<1024x1xf32>
    %div3A_89 = arith.divf %div3A_88, %add3A_87 : vector<1024x1xf32>
    %sqrt3A_90 = math.sqrt %broadcast_in_dim3A_52 : vector<1024x1xf32>
    %add3A_91 = arith.constant 1.000000e-10 : f32
    %add3A_92 = vector.broadcast %add3A_91 : f32 to vector<1024x1xf32>
    %add3A_93 = arith.addf %sqrt3A_90, %add3A_92 : vector<1024x1xf32>
    %div3A_94 = arith.constant 1.000000e+00 : f32
    %div3A_95 = vector.broadcast %div3A_94 : f32 to vector<1024x1xf32>
    %div3A_96 = arith.divf %div3A_95, %add3A_93 : vector<1024x1xf32>
    %sqrt3A_97 = math.sqrt %broadcast_in_dim3A_68 : vector<1024x1xf32>
    %add3A_98 = arith.constant 1.000000e-10 : f32
    %add3A_99 = vector.broadcast %add3A_98 : f32 to vector<1024x1xf32>
    %add3A_100 = arith.addf %sqrt3A_97, %add3A_99 : vector<1024x1xf32>
    %div3A_101 = arith.constant 1.000000e+00 : f32
    %div3A_102 = vector.broadcast %div3A_101 : f32 to vector<1024x1xf32>
    %div3A_103 = arith.divf %div3A_102, %add3A_100 : vector<1024x1xf32>
    %add3A_104 = arith.addf %div3A_89, %div3A_96 : vector<1024x1xf32>
    %add3A_105 = arith.addf %add3A_104, %div3A_103 : vector<1024x1xf32>
    %div3A_106 = arith.divf %div3A_89, %add3A_105 : vector<1024x1xf32>
    %div3A_107 = arith.divf %div3A_96, %add3A_105 : vector<1024x1xf32>
    %div3A_108 = arith.divf %div3A_103, %add3A_105 : vector<1024x1xf32>
    %broadcast_in_dim3A_109 = arith.constant 0.000000e+00 : f32
    %broadcast_in_dim3A_110 = vector.broadcast %broadcast_in_dim3A_109 : f32 to vector<1024x1xf32>
    %concatenate3A_111 = tpu.concatenate %div3A_106, %div3A_107, %div3A_108, %broadcast_in_dim3A_110 in 1 : vector<1024x1xf32>, vector<1024x1xf32>, vector<1024x1xf32>, vector<1024x1xf32> -> vector<1024x4xf32>
    %swap3A_112 = arith.constant 0 : index
    %swap3A_113 = arith.constant 0 : index
    %swap3A_114 = arith.constant 0 : index
    %swap3A_115 = vector.load %arg5[%swap3A_112, %swap3A_113, %swap3A_114] : memref<1x1024x4xf32, #tpu.memory_space<vmem>>, vector<1x1024x4xf32>
    %swap3A_116 = vector.shape_cast %swap3A_115 : vector<1x1024x4xf32> to vector<1024x4xf32>
    %swap3A_117 = vector.shape_cast %concatenate3A_111 : vector<1024x4xf32> to vector<1x1024x4xf32>
    tpu.vector_store %arg5[%swap3A_112, %swap3A_113, %swap3A_114], %swap3A_117 {strides = array<i32>} : memref<1x1024x4xf32, #tpu.memory_space<vmem>>, vector<1x1024x4xf32>,
    return
  }
  func.func @transform_0(%arg0: i32, %arg1: i32) -> (i32, i32, i32) {
    %c0_i32 = arith.constant 0 : i32
    %c0_i32_0 = arith.constant 0 : i32
    return %arg0, %arg1, %c0_i32 : i32, i32, i32
  }
  func.func @transform_1(%arg0: i32, %arg1: i32) -> (i32, i32, i32) {
    %c0_i32 = arith.constant 0 : i32
    %c0_i32_0 = arith.constant 0 : i32
    %c0_i32_1 = arith.constant 0 : i32
    return %arg0, %c0_i32, %c0_i32_0 : i32, i32, i32
  }
  func.func @transform_2(%arg0: i32, %arg1: i32) -> (i32, i32, i32) {
    %c0_i32 = arith.constant 0 : i32
    %c0_i32_0 = arith.constant 0 : i32
    return %arg0, %arg1, %c0_i32 : i32, i32, i32
  }
  func.func @transform_3(%arg0: i32, %arg1: i32) -> (i32, i32, i32) {
    %c0_i32 = arith.constant 0 : i32
    %c0_i32_0 = arith.constant 0 : i32
    return %arg0, %arg1, %c0_i32 : i32, i32, i32
  }
}

module attributes {stable_mosaic.version = 14 : i64} {
  func.func @_mlp(%arg0: i32, %arg1: i32, %arg2: i32, %arg3: memref<1x2048x32xf32, #tpu.memory_space<vmem>>, %arg4: memref<1x2048x16xf32, #tpu.memory_space<vmem>>, %arg5: memref<48x64xf32, #tpu.memory_space<vmem>>, %arg6: memref<1x64xf32, #tpu.memory_space<vmem>>, %arg7: memref<64x64xf32, #tpu.memory_space<vmem>>, %arg8: memref<1x64xf32, #tpu.memory_space<vmem>>, %arg9: memref<1x64xf32, #tpu.memory_space<vmem>>, %arg10: memref<1x64xf32, #tpu.memory_space<vmem>>, %arg11: memref<1x64xf32, #tpu.memory_space<vmem>>, %arg12: memref<1x64xf32, #tpu.memory_space<vmem>>, %arg13: memref<1x2048x64xf32, #tpu.memory_space<vmem>>, %arg14: memref<16x2048x64xf32, #tpu.memory_space<vmem>>, %arg15: memref<8x64xf32, #tpu.memory_space<vmem>>, %arg16: memref<8x64xf32, #tpu.memory_space<vmem>>) attributes {dimension_semantics = [#tpu.dimension_semantics<arbitrary>, #tpu.dimension_semantics<arbitrary>, #tpu.dimension_semantics<arbitrary>], iteration_bounds = array<i64: 3, 4, 4>, scalar_prefetch = 0 : i64, scratch_operands = 3 : i64, tpu.core_type = #tpu.core_type<tc>, window_params = [{transform_indices = @transform_0, window_bounds = array<i64: 1, 2048, 32>}, {transform_indices = @transform_1, window_bounds = array<i64: 1, 2048, 16>}, {pipeline_mode = #tpu.pipeline_mode<synchronous>, transform_indices = @transform_2, window_bounds = array<i64: 48, 64>}, {pipeline_mode = #tpu.pipeline_mode<synchronous>, transform_indices = @transform_3, window_bounds = array<i64: 1, 64>}, {pipeline_mode = #tpu.pipeline_mode<synchronous>, transform_indices = @transform_4, window_bounds = array<i64: 64, 64>}, {pipeline_mode = #tpu.pipeline_mode<synchronous>, transform_indices = @transform_5, window_bounds = array<i64: 1, 64>}, {pipeline_mode = #tpu.pipeline_mode<synchronous>, transform_indices = @transform_6, window_bounds = array<i64: 1, 64>}, {pipeline_mode = #tpu.pipeline_mode<synchronous>, transform_indices = @transform_7, window_bounds = array<i64: 1, 64>}, {pipeline_mode = #tpu.pipeline_mode<synchronous>, transform_indices = @transform_8, window_bounds = array<i64: 1, 64>}, {pipeline_mode = #tpu.pipeline_mode<synchronous>, transform_indices = @transform_9, window_bounds = array<i64: 1, 64>}, {transform_indices = @transform_10, window_bounds = array<i64: 1, 2048, 64>}]} {
    %mul3A = arith.constant 4 : i32
    %mul3A_0 = arith.muli %arg1, %mul3A : i32
    %add3A = arith.addi %mul3A_0, %arg2 : i32
    %eq3A = arith.constant 0 : i32
    %eq3A_1 = arith.cmpi eq, %arg1, %eq3A : i32
    %eq3A_2 = arith.constant 0 : i32
    %eq3A_3 = arith.cmpi eq, %arg2, %eq3A_2 : i32
    %and3A = arith.andi %eq3A_1, %eq3A_3 : i1
    %eq3A_4 = arith.constant 0 : i32
    %eq3A_5 = arith.cmpi eq, %arg0, %eq3A_4 : i32
    %and3A_6 = arith.andi %eq3A_5, %and3A : i1
    %convert_element_type3A = arith.extui %and3A_6 : i1 to i32
    %cond3A = arith.constant 0 : i32
    %cond3A_7 = arith.cmpi ne, %convert_element_type3A, %cond3A : i32
    scf.if %cond3A_7 {
      %broadcast_in_dim3A = arith.constant 0.000000e+00 : f32
      %broadcast_in_dim3A_29 = vector.broadcast %broadcast_in_dim3A : f32 to vector<8x64xf32>
      %swap3A = arith.constant 0 : index
      %swap3A_30 = arith.constant 0 : index
      %swap3A_31 = vector.load %arg15[%swap3A, %swap3A_30] : memref<8x64xf32, #tpu.memory_space<vmem>>, vector<8x64xf32>
      tpu.vector_store %arg15[%swap3A, %swap3A_30], %broadcast_in_dim3A_29 {strides = array<i32>} : memref<8x64xf32, #tpu.memory_space<vmem>>, vector<8x64xf32>,
    } else {
    }
    %eq3A_8 = arith.constant 1 : i32
    %eq3A_9 = arith.cmpi eq, %arg0, %eq3A_8 : i32
    %and3A_10 = arith.andi %eq3A_9, %and3A : i1
    %convert_element_type3A_11 = arith.extui %and3A_10 : i1 to i32
    %cond3A_12 = arith.constant 0 : i32
    %cond3A_13 = arith.cmpi ne, %convert_element_type3A_11, %cond3A_12 : i32
    scf.if %cond3A_13 {
      %broadcast_in_dim3A = arith.constant 0.000000e+00 : f32
      %broadcast_in_dim3A_29 = vector.broadcast %broadcast_in_dim3A : f32 to vector<8x64xf32>
      %swap3A = arith.constant 0 : index
      %swap3A_30 = arith.constant 0 : index
      %swap3A_31 = vector.load %arg16[%swap3A, %swap3A_30] : memref<8x64xf32, #tpu.memory_space<vmem>>, vector<8x64xf32>
      tpu.vector_store %arg16[%swap3A, %swap3A_30], %broadcast_in_dim3A_29 {strides = array<i32>} : memref<8x64xf32, #tpu.memory_space<vmem>>, vector<8x64xf32>,
    } else {
    }
    %eq3A_14 = arith.constant 0 : i32
    %eq3A_15 = arith.cmpi eq, %arg0, %eq3A_14 : i32
    %convert_element_type3A_16 = arith.extui %eq3A_15 : i1 to i32
    %cond3A_17 = arith.constant 0 : i32
    %cond3A_18 = arith.cmpi ne, %convert_element_type3A_16, %cond3A_17 : i32
    scf.if %cond3A_18 {
      %get3A = arith.constant 0 : index
      %get3A_29 = arith.constant 0 : index
      %get3A_30 = arith.constant 0 : index
      %get3A_31 = vector.load %arg3[%get3A, %get3A_29, %get3A_30] : memref<1x2048x32xf32, #tpu.memory_space<vmem>>, vector<1x2048x32xf32>
      %get3A_32 = vector.shape_cast %get3A_31 : vector<1x2048x32xf32> to vector<2048x32xf32>
      %get3A_33 = arith.constant 0 : index
      %get3A_34 = arith.constant 0 : index
      %get3A_35 = arith.constant 0 : index
      %get3A_36 = vector.load %arg4[%get3A_33, %get3A_34, %get3A_35] : memref<1x2048x16xf32, #tpu.memory_space<vmem>>, vector<1x2048x16xf32>
      %get3A_37 = vector.shape_cast %get3A_36 : vector<1x2048x16xf32> to vector<2048x16xf32>
      %concatenate3A = tpu.concatenate %get3A_32, %get3A_37 in 1 : vector<2048x32xf32>, vector<2048x16xf32> -> vector<2048x48xf32>
      %convert_element_type3A_38 = arith.truncf %concatenate3A : vector<2048x48xf32> to vector<2048x48xbf16>
      %get3A_39 = arith.constant 0 : index
      %get3A_40 = arith.constant 0 : index
      %get3A_41 = vector.load %arg5[%get3A_39, %get3A_40] : memref<48x64xf32, #tpu.memory_space<vmem>>, vector<48x64xf32>
      %convert_element_type3A_42 = arith.truncf %get3A_41 : vector<48x64xf32> to vector<48x64xbf16>
      %dot_general3A = arith.constant dense<0.000000e+00> : vector<2048x64xf32>
      %dot_general3A_43 = tpu.matmul %convert_element_type3A_38, %convert_element_type3A_42, %dot_general3A {dimension_numbers = #tpu.dot_dimension_numbers<[1], [0], [0], [1], [0, 0, 1, 1], [], []>, transpose_lhs_hint = false} : vector<2048x48xbf16>, vector<48x64xbf16>, vector<2048x64xf32> -> vector<2048x64xf32>
      %get3A_44 = arith.constant 0 : index
      %get3A_45 = arith.constant 0 : index
      %get3A_46 = vector.load %arg6[%get3A_44, %get3A_45] : memref<1x64xf32, #tpu.memory_space<vmem>>, vector<1x64xf32>
      %add3A_47 = vector.broadcast %get3A_46 : vector<1x64xf32> to vector<2048x64xf32>
      %add3A_48 = arith.addf %dot_general3A_43, %add3A_47 : vector<2048x64xf32>
      %swap3A = arith.index_cast %add3A : i32 to index
      %swap3A_49 = arith.constant 0 : index
      %swap3A_50 = arith.constant 0 : index
      %swap3A_51 = vector.load %arg14[%swap3A, %swap3A_49, %swap3A_50] : memref<16x2048x64xf32, #tpu.memory_space<vmem>>, vector<1x2048x64xf32>
      %swap3A_52 = vector.shape_cast %swap3A_51 : vector<1x2048x64xf32> to vector<2048x64xf32>
      %swap3A_53 = vector.shape_cast %add3A_48 : vector<2048x64xf32> to vector<1x2048x64xf32>
      tpu.vector_store %arg14[%swap3A, %swap3A_49, %swap3A_50], %swap3A_53 {strides = array<i32>} : memref<16x2048x64xf32, #tpu.memory_space<vmem>>, vector<1x2048x64xf32>,
      %get3A_54 = arith.constant 0 : index
      %get3A_55 = arith.constant 0 : index
      %get3A_56 = vector.load %arg15[%get3A_54, %get3A_55] : memref<8x64xf32, #tpu.memory_space<vmem>>, vector<1x64xf32>
      %reduce_sum3A = arith.constant dense<0.000000e+00> : vector<64xf32>
      %reduce_sum3A_57 = vector.multi_reduction <add>, %add3A_48, %reduce_sum3A [0] : vector<2048x64xf32> to vector<64xf32>
      %broadcast_in_dim3A = vector.shape_cast %reduce_sum3A_57 : vector<64xf32> to vector<1x64xf32>
      %add3A_58 = arith.addf %get3A_56, %broadcast_in_dim3A : vector<1x64xf32>
      %swap3A_59 = arith.constant 0 : index
      %swap3A_60 = arith.constant 0 : index
      %swap3A_61 = vector.load %arg15[%swap3A_59, %swap3A_60] : memref<8x64xf32, #tpu.memory_space<vmem>>, vector<1x64xf32>
      tpu.vector_store %arg15[%swap3A_59, %swap3A_60], %add3A_58 {strides = array<i32>} : memref<8x64xf32, #tpu.memory_space<vmem>>, vector<1x64xf32>,
      %get3A_62 = arith.constant 1 : index
      %get3A_63 = arith.constant 0 : index
      %get3A_64 = vector.load %arg15[%get3A_62, %get3A_63] : memref<8x64xf32, #tpu.memory_space<vmem>>, vector<1x64xf32>
      %mul3A_65 = arith.mulf %add3A_48, %add3A_48 : vector<2048x64xf32>
      %reduce_sum3A_66 = arith.constant dense<0.000000e+00> : vector<64xf32>
      %reduce_sum3A_67 = vector.multi_reduction <add>, %mul3A_65, %reduce_sum3A_66 [0] : vector<2048x64xf32> to vector<64xf32>
      %broadcast_in_dim3A_68 = vector.shape_cast %reduce_sum3A_67 : vector<64xf32> to vector<1x64xf32>
      %add3A_69 = arith.addf %get3A_64, %broadcast_in_dim3A_68 : vector<1x64xf32>
      %swap3A_70 = arith.constant 1 : index
      %swap3A_71 = arith.constant 0 : index
      %swap3A_72 = vector.load %arg15[%swap3A_70, %swap3A_71] : memref<8x64xf32, #tpu.memory_space<vmem>>, vector<1x64xf32>
      tpu.vector_store %arg15[%swap3A_70, %swap3A_71], %add3A_69 {strides = array<i32>} : memref<8x64xf32, #tpu.memory_space<vmem>>, vector<1x64xf32>,
    } else {
    }
    %eq3A_19 = arith.constant 1 : i32
    %eq3A_20 = arith.cmpi eq, %arg0, %eq3A_19 : i32
    %convert_element_type3A_21 = arith.extui %eq3A_20 : i1 to i32
    %cond3A_22 = arith.constant 0 : i32
    %cond3A_23 = arith.cmpi ne, %convert_element_type3A_21, %cond3A_22 : i32
    scf.if %cond3A_23 {
      %get3A = arith.constant 0 : index
      %get3A_29 = arith.constant 0 : index
      %get3A_30 = vector.load %arg15[%get3A, %get3A_29] : memref<8x64xf32, #tpu.memory_space<vmem>>, vector<1x64xf32>
      %div3A = arith.constant 3.276800e+04 : f32
      %div3A_31 = vector.broadcast %div3A : f32 to vector<1x64xf32>
      %div3A_32 = arith.divf %get3A_30, %div3A_31 : vector<1x64xf32>
      %get3A_33 = arith.constant 1 : index
      %get3A_34 = arith.constant 0 : index
      %get3A_35 = vector.load %arg15[%get3A_33, %get3A_34] : memref<8x64xf32, #tpu.memory_space<vmem>>, vector<1x64xf32>
      %div3A_36 = arith.constant 3.276800e+04 : f32
      %div3A_37 = vector.broadcast %div3A_36 : f32 to vector<1x64xf32>
      %div3A_38 = arith.divf %get3A_35, %div3A_37 : vector<1x64xf32>
      %mul3A_39 = arith.mulf %div3A_32, %div3A_32 : vector<1x64xf32>
      %sub3A = arith.subf %div3A_38, %mul3A_39 : vector<1x64xf32>
      %add3A_40 = arith.constant 9.99999974E-6 : f32
      %add3A_41 = vector.broadcast %add3A_40 : f32 to vector<1x64xf32>
      %add3A_42 = arith.addf %sub3A, %add3A_41 : vector<1x64xf32>
      %rsqrt3A = math.rsqrt %add3A_42 : vector<1x64xf32>
      %get3A_43 = arith.index_cast %add3A : i32 to index
      %get3A_44 = arith.constant 0 : index
      %get3A_45 = arith.constant 0 : index
      %get3A_46 = vector.load %arg14[%get3A_43, %get3A_44, %get3A_45] : memref<16x2048x64xf32, #tpu.memory_space<vmem>>, vector<1x2048x64xf32>
      %get3A_47 = vector.shape_cast %get3A_46 : vector<1x2048x64xf32> to vector<2048x64xf32>
      %sub3A_48 = vector.broadcast %div3A_32 : vector<1x64xf32> to vector<2048x64xf32>
      %sub3A_49 = arith.subf %get3A_47, %sub3A_48 : vector<2048x64xf32>
      %mul3A_50 = vector.broadcast %rsqrt3A : vector<1x64xf32> to vector<2048x64xf32>
      %mul3A_51 = arith.mulf %sub3A_49, %mul3A_50 : vector<2048x64xf32>
      %get3A_52 = arith.constant 0 : index
      %get3A_53 = arith.constant 0 : index
      %get3A_54 = vector.load %arg9[%get3A_52, %get3A_53] : memref<1x64xf32, #tpu.memory_space<vmem>>, vector<1x64xf32>
      %mul3A_55 = vector.broadcast %get3A_54 : vector<1x64xf32> to vector<2048x64xf32>
      %mul3A_56 = arith.mulf %mul3A_51, %mul3A_55 : vector<2048x64xf32>
      %get3A_57 = arith.constant 0 : index
      %get3A_58 = arith.constant 0 : index
      %get3A_59 = vector.load %arg10[%get3A_57, %get3A_58] : memref<1x64xf32, #tpu.memory_space<vmem>>, vector<1x64xf32>
      %add3A_60 = vector.broadcast %get3A_59 : vector<1x64xf32> to vector<2048x64xf32>
      %add3A_61 = arith.addf %mul3A_56, %add3A_60 : vector<2048x64xf32>
      %max3A = arith.constant 0.000000e+00 : f32
      %max3A_62 = vector.broadcast %max3A : f32 to vector<2048x64xf32>
      %max3A_63 = arith.maximumf %add3A_61, %max3A_62 : vector<2048x64xf32>
      %convert_element_type3A_64 = arith.truncf %max3A_63 : vector<2048x64xf32> to vector<2048x64xbf16>
      %get3A_65 = arith.constant 0 : index
      %get3A_66 = arith.constant 0 : index
      %get3A_67 = vector.load %arg7[%get3A_65, %get3A_66] : memref<64x64xf32, #tpu.memory_space<vmem>>, vector<64x64xf32>
      %convert_element_type3A_68 = arith.truncf %get3A_67 : vector<64x64xf32> to vector<64x64xbf16>
      %dot_general3A = arith.constant dense<0.000000e+00> : vector<2048x64xf32>
      %dot_general3A_69 = tpu.matmul %convert_element_type3A_64, %convert_element_type3A_68, %dot_general3A {dimension_numbers = #tpu.dot_dimension_numbers<[1], [0], [0], [1], [0, 0, 1, 1], [], []>, transpose_lhs_hint = false} : vector<2048x64xbf16>, vector<64x64xbf16>, vector<2048x64xf32> -> vector<2048x64xf32>
      %get3A_70 = arith.constant 0 : index
      %get3A_71 = arith.constant 0 : index
      %get3A_72 = vector.load %arg8[%get3A_70, %get3A_71] : memref<1x64xf32, #tpu.memory_space<vmem>>, vector<1x64xf32>
      %add3A_73 = vector.broadcast %get3A_72 : vector<1x64xf32> to vector<2048x64xf32>
      %add3A_74 = arith.addf %dot_general3A_69, %add3A_73 : vector<2048x64xf32>
      %swap3A = arith.index_cast %add3A : i32 to index
      %swap3A_75 = arith.constant 0 : index
      %swap3A_76 = arith.constant 0 : index
      %swap3A_77 = vector.load %arg14[%swap3A, %swap3A_75, %swap3A_76] : memref<16x2048x64xf32, #tpu.memory_space<vmem>>, vector<1x2048x64xf32>
      %swap3A_78 = vector.shape_cast %swap3A_77 : vector<1x2048x64xf32> to vector<2048x64xf32>
      %swap3A_79 = vector.shape_cast %add3A_74 : vector<2048x64xf32> to vector<1x2048x64xf32>
      tpu.vector_store %arg14[%swap3A, %swap3A_75, %swap3A_76], %swap3A_79 {strides = array<i32>} : memref<16x2048x64xf32, #tpu.memory_space<vmem>>, vector<1x2048x64xf32>,
      %get3A_80 = arith.constant 0 : index
      %get3A_81 = arith.constant 0 : index
      %get3A_82 = vector.load %arg16[%get3A_80, %get3A_81] : memref<8x64xf32, #tpu.memory_space<vmem>>, vector<1x64xf32>
      %reduce_sum3A = arith.constant dense<0.000000e+00> : vector<64xf32>
      %reduce_sum3A_83 = vector.multi_reduction <add>, %add3A_74, %reduce_sum3A [0] : vector<2048x64xf32> to vector<64xf32>
      %broadcast_in_dim3A = vector.shape_cast %reduce_sum3A_83 : vector<64xf32> to vector<1x64xf32>
      %add3A_84 = arith.addf %get3A_82, %broadcast_in_dim3A : vector<1x64xf32>
      %swap3A_85 = arith.constant 0 : index
      %swap3A_86 = arith.constant 0 : index
      %swap3A_87 = vector.load %arg16[%swap3A_85, %swap3A_86] : memref<8x64xf32, #tpu.memory_space<vmem>>, vector<1x64xf32>
      tpu.vector_store %arg16[%swap3A_85, %swap3A_86], %add3A_84 {strides = array<i32>} : memref<8x64xf32, #tpu.memory_space<vmem>>, vector<1x64xf32>,
      %get3A_88 = arith.constant 1 : index
      %get3A_89 = arith.constant 0 : index
      %get3A_90 = vector.load %arg16[%get3A_88, %get3A_89] : memref<8x64xf32, #tpu.memory_space<vmem>>, vector<1x64xf32>
      %mul3A_91 = arith.mulf %add3A_74, %add3A_74 : vector<2048x64xf32>
      %reduce_sum3A_92 = arith.constant dense<0.000000e+00> : vector<64xf32>
      %reduce_sum3A_93 = vector.multi_reduction <add>, %mul3A_91, %reduce_sum3A_92 [0] : vector<2048x64xf32> to vector<64xf32>
      %broadcast_in_dim3A_94 = vector.shape_cast %reduce_sum3A_93 : vector<64xf32> to vector<1x64xf32>
      %add3A_95 = arith.addf %get3A_90, %broadcast_in_dim3A_94 : vector<1x64xf32>
      %swap3A_96 = arith.constant 1 : index
      %swap3A_97 = arith.constant 0 : index
      %swap3A_98 = vector.load %arg16[%swap3A_96, %swap3A_97] : memref<8x64xf32, #tpu.memory_space<vmem>>, vector<1x64xf32>
      tpu.vector_store %arg16[%swap3A_96, %swap3A_97], %add3A_95 {strides = array<i32>} : memref<8x64xf32, #tpu.memory_space<vmem>>, vector<1x64xf32>,
    } else {
    }
    %eq3A_24 = arith.constant 2 : i32
    %eq3A_25 = arith.cmpi eq, %arg0, %eq3A_24 : i32
    %convert_element_type3A_26 = arith.extui %eq3A_25 : i1 to i32
    %cond3A_27 = arith.constant 0 : i32
    %cond3A_28 = arith.cmpi ne, %convert_element_type3A_26, %cond3A_27 : i32
    scf.if %cond3A_28 {
      %get3A = arith.constant 0 : index
      %get3A_29 = arith.constant 0 : index
      %get3A_30 = vector.load %arg16[%get3A, %get3A_29] : memref<8x64xf32, #tpu.memory_space<vmem>>, vector<1x64xf32>
      %div3A = arith.constant 3.276800e+04 : f32
      %div3A_31 = vector.broadcast %div3A : f32 to vector<1x64xf32>
      %div3A_32 = arith.divf %get3A_30, %div3A_31 : vector<1x64xf32>
      %get3A_33 = arith.constant 1 : index
      %get3A_34 = arith.constant 0 : index
      %get3A_35 = vector.load %arg16[%get3A_33, %get3A_34] : memref<8x64xf32, #tpu.memory_space<vmem>>, vector<1x64xf32>
      %div3A_36 = arith.constant 3.276800e+04 : f32
      %div3A_37 = vector.broadcast %div3A_36 : f32 to vector<1x64xf32>
      %div3A_38 = arith.divf %get3A_35, %div3A_37 : vector<1x64xf32>
      %mul3A_39 = arith.mulf %div3A_32, %div3A_32 : vector<1x64xf32>
      %sub3A = arith.subf %div3A_38, %mul3A_39 : vector<1x64xf32>
      %add3A_40 = arith.constant 9.99999974E-6 : f32
      %add3A_41 = vector.broadcast %add3A_40 : f32 to vector<1x64xf32>
      %add3A_42 = arith.addf %sub3A, %add3A_41 : vector<1x64xf32>
      %rsqrt3A = math.rsqrt %add3A_42 : vector<1x64xf32>
      %get3A_43 = arith.index_cast %add3A : i32 to index
      %get3A_44 = arith.constant 0 : index
      %get3A_45 = arith.constant 0 : index
      %get3A_46 = vector.load %arg14[%get3A_43, %get3A_44, %get3A_45] : memref<16x2048x64xf32, #tpu.memory_space<vmem>>, vector<1x2048x64xf32>
      %get3A_47 = vector.shape_cast %get3A_46 : vector<1x2048x64xf32> to vector<2048x64xf32>
      %sub3A_48 = vector.broadcast %div3A_32 : vector<1x64xf32> to vector<2048x64xf32>
      %sub3A_49 = arith.subf %get3A_47, %sub3A_48 : vector<2048x64xf32>
      %mul3A_50 = vector.broadcast %rsqrt3A : vector<1x64xf32> to vector<2048x64xf32>
      %mul3A_51 = arith.mulf %sub3A_49, %mul3A_50 : vector<2048x64xf32>
      %get3A_52 = arith.constant 0 : index
      %get3A_53 = arith.constant 0 : index
      %get3A_54 = vector.load %arg11[%get3A_52, %get3A_53] : memref<1x64xf32, #tpu.memory_space<vmem>>, vector<1x64xf32>
      %mul3A_55 = vector.broadcast %get3A_54 : vector<1x64xf32> to vector<2048x64xf32>
      %mul3A_56 = arith.mulf %mul3A_51, %mul3A_55 : vector<2048x64xf32>
      %get3A_57 = arith.constant 0 : index
      %get3A_58 = arith.constant 0 : index
      %get3A_59 = vector.load %arg12[%get3A_57, %get3A_58] : memref<1x64xf32, #tpu.memory_space<vmem>>, vector<1x64xf32>
      %add3A_60 = vector.broadcast %get3A_59 : vector<1x64xf32> to vector<2048x64xf32>
      %add3A_61 = arith.addf %mul3A_56, %add3A_60 : vector<2048x64xf32>
      %max3A = arith.constant 0.000000e+00 : f32
      %max3A_62 = vector.broadcast %max3A : f32 to vector<2048x64xf32>
      %max3A_63 = arith.maximumf %add3A_61, %max3A_62 : vector<2048x64xf32>
      %swap3A = arith.constant 0 : index
      %swap3A_64 = arith.constant 0 : index
      %swap3A_65 = arith.constant 0 : index
      %swap3A_66 = vector.load %arg13[%swap3A, %swap3A_64, %swap3A_65] : memref<1x2048x64xf32, #tpu.memory_space<vmem>>, vector<1x2048x64xf32>
      %swap3A_67 = vector.shape_cast %swap3A_66 : vector<1x2048x64xf32> to vector<2048x64xf32>
      %swap3A_68 = vector.shape_cast %max3A_63 : vector<2048x64xf32> to vector<1x2048x64xf32>
      tpu.vector_store %arg13[%swap3A, %swap3A_64, %swap3A_65], %swap3A_68 {strides = array<i32>} : memref<1x2048x64xf32, #tpu.memory_space<vmem>>, vector<1x2048x64xf32>,
    } else {
    }
    return
  }
  func.func @transform_0(%arg0: i32, %arg1: i32, %arg2: i32) -> (i32, i32, i32) {
    %eq3A = arith.constant 0 : i32
    %eq3A_0 = arith.cmpi eq, %arg0, %eq3A : i32
    %jit3A = arith.constant 0 : i32
    %select_n3A = arith.select %eq3A_0, %arg1, %jit3A : i32
    %eq3A_1 = arith.constant 0 : i32
    %eq3A_2 = arith.cmpi eq, %arg0, %eq3A_1 : i32
    %jit3A_3 = arith.constant 0 : i32
    %select_n3A_4 = arith.select %eq3A_2, %arg2, %jit3A_3 : i32
    %c0_i32 = arith.constant 0 : i32
    %c0_i32_5 = arith.constant 0 : i32
    return %select_n3A, %select_n3A_4, %c0_i32 : i32, i32, i32
  }
  func.func @transform_1(%arg0: i32, %arg1: i32, %arg2: i32) -> (i32, i32, i32) {
    %eq3A = arith.constant 0 : i32
    %eq3A_0 = arith.cmpi eq, %arg0, %eq3A : i32
    %jit3A = arith.constant 0 : i32
    %select_n3A = arith.select %eq3A_0, %arg1, %jit3A : i32
    %eq3A_1 = arith.constant 0 : i32
    %eq3A_2 = arith.cmpi eq, %arg0, %eq3A_1 : i32
    %jit3A_3 = arith.constant 0 : i32
    %select_n3A_4 = arith.select %eq3A_2, %arg2, %jit3A_3 : i32
    %c0_i32 = arith.constant 0 : i32
    %c0_i32_5 = arith.constant 0 : i32
    return %select_n3A, %select_n3A_4, %c0_i32 : i32, i32, i32
  }
  func.func @transform_2(%arg0: i32, %arg1: i32, %arg2: i32) -> (i32, i32) {
    %c0_i32 = arith.constant 0 : i32
    %c0_i32_0 = arith.constant 0 : i32
    %c0_i32_1 = arith.constant 0 : i32
    return %c0_i32, %c0_i32_0 : i32, i32
  }
  func.func @transform_3(%arg0: i32, %arg1: i32, %arg2: i32) -> (i32, i32) {
    %c0_i32 = arith.constant 0 : i32
    %c0_i32_0 = arith.constant 0 : i32
    %c0_i32_1 = arith.constant 0 : i32
    return %c0_i32, %c0_i32_0 : i32, i32
  }
  func.func @transform_4(%arg0: i32, %arg1: i32, %arg2: i32) -> (i32, i32) {
    %c0_i32 = arith.constant 0 : i32
    %c0_i32_0 = arith.constant 0 : i32
    %c0_i32_1 = arith.constant 0 : i32
    return %c0_i32, %c0_i32_0 : i32, i32
  }
  func.func @transform_5(%arg0: i32, %arg1: i32, %arg2: i32) -> (i32, i32) {
    %c0_i32 = arith.constant 0 : i32
    %c0_i32_0 = arith.constant 0 : i32
    %c0_i32_1 = arith.constant 0 : i32
    return %c0_i32, %c0_i32_0 : i32, i32
  }
  func.func @transform_6(%arg0: i32, %arg1: i32, %arg2: i32) -> (i32, i32) {
    %c0_i32 = arith.constant 0 : i32
    %c0_i32_0 = arith.constant 0 : i32
    %c0_i32_1 = arith.constant 0 : i32
    return %c0_i32, %c0_i32_0 : i32, i32
  }
  func.func @transform_7(%arg0: i32, %arg1: i32, %arg2: i32) -> (i32, i32) {
    %c0_i32 = arith.constant 0 : i32
    %c0_i32_0 = arith.constant 0 : i32
    %c0_i32_1 = arith.constant 0 : i32
    return %c0_i32, %c0_i32_0 : i32, i32
  }
  func.func @transform_8(%arg0: i32, %arg1: i32, %arg2: i32) -> (i32, i32) {
    %c0_i32 = arith.constant 0 : i32
    %c0_i32_0 = arith.constant 0 : i32
    %c0_i32_1 = arith.constant 0 : i32
    return %c0_i32, %c0_i32_0 : i32, i32
  }
  func.func @transform_9(%arg0: i32, %arg1: i32, %arg2: i32) -> (i32, i32) {
    %c0_i32 = arith.constant 0 : i32
    %c0_i32_0 = arith.constant 0 : i32
    %c0_i32_1 = arith.constant 0 : i32
    return %c0_i32, %c0_i32_0 : i32, i32
  }
  func.func @transform_10(%arg0: i32, %arg1: i32, %arg2: i32) -> (i32, i32, i32) {
    %eq3A = arith.constant 2 : i32
    %eq3A_0 = arith.cmpi eq, %arg0, %eq3A : i32
    %jit3A = arith.constant 0 : i32
    %select_n3A = arith.select %eq3A_0, %arg1, %jit3A : i32
    %eq3A_1 = arith.constant 2 : i32
    %eq3A_2 = arith.cmpi eq, %arg0, %eq3A_1 : i32
    %jit3A_3 = arith.constant 0 : i32
    %select_n3A_4 = arith.select %eq3A_2, %arg2, %jit3A_3 : i32
    %c0_i32 = arith.constant 0 : i32
    %c0_i32_5 = arith.constant 0 : i32
    return %select_n3A, %select_n3A_4, %c0_i32 : i32, i32, i32
  }
}

</mosaic_0001>

<sc_bundles>
// kernel: kernel.5.cloned.1.call-start
scs
__scs_entry_jumppad:
0x0: {  	(pc) =	sbr.rel $0x88, $3  }
0x1: {  	(tag) =	ssettag $0x0;
	lr =	simm.s32 $0x1  }
0x2: {  	[smem:$0x3F95] =	sst lr;
	_ =	strace $0xD0000000  }
0x3: {  	_ = 	snop  }
0x4: {  	_ = 	snop  }
0x5: {  	_ = 	snop  }
0x6: {  	_ = 	snop  }
0x7: {  	_ = 	snop  }
__scs_overlays_trampoline_lowered:
0x8: {  	[smem:$0x3FA4] =	sst s0  }
0x9: {  	[smem:$0x3FA5] =	sst s1  }
0xa: {  	[smem:$0x3FA6] =	sst s2  }
0xb: {  	[smem:$0x3FA7] =	sst s3  }
0xc: {  	[smem:$0x3FA8] =	sst s4  }
0xd: {  	[smem:$0x3FA9] =	sst s5  }
0xe: {  	[smem:$0x3FAA] =	sst s6  }
0xf: {  	[smem:$0x3FAB] =	sst s7  }
0x10: {  	[smem:$0x3FAC] =	sst s8  }
0x11: {  	[smem:$0x3FAD] =	sst s9;
	s0 =	simm.s32 @!p0 $0x0  }
0x12: {  	s1 =	sld [smem:$0x3F93];
	s0 =	simm.s32 @p0 $0x1  }
0x13: {  	[smem:$0x3FAE] =	sst s0;
	s0 =	simm.s32 @!p1 $0x0  }
0x14: {  	s2 =	sld [smem:$0x3F92];
	s0 =	simm.s32 @p1 $0x1  }
0x15: {  	[smem:$0x3FAF] =	sst s0;
	s0 =	simm.s32 @!p2 $0x0  }
0x16: {  	s3 =	sld [smem:$0x3FDB];
	s0 =	simm.s32 @p2 $0x1  }
0x17: {  	s4 =	simm.s32 $0x1BF5;
	[smem:$0x3FB1] =	sst s0  }
0x18: {  	s0 =	sld [smem:$0x3F94];
	_ =	swait.ge [sflag:s4], $0x0  }
0x19: {  	s7 =	sld [smem:$0x3F95]  }
0x1a: {  	s8 =	sadd.s32 $0xFFFFE003, lr  }
0x1b: {  	s9 =	sadd.s32 $0xFFFFFEF7, lr;
	s5 =	simm.s32 $0xFFFFFFFF;
	p2 =	slt.u32 s8, $0xFFFFF086  }
0x1c: {  	p1 =	slt.u32 s9, $0xF7A;
	s5 =	simm.s32 @!p2 $0x0  }
0x1d: {  	s5 =	simm.s32 @p1 $0x1;
	p0 =	seq.s32 s7, s2  }
0x1e: {  	s7 =	smul.u32 @!p0 $0xF7A, s2;
	p2 =	seq.s32 @!p0 s5, $0x0  }
0x1f: {  	s9 =	smul.u32 $0xF7A, s1;
	s8 =	simm.s32 @!p0 $0x1BF5;
	p2 =	por !p2, p0  }
0x20: {  	[sflag:s8] =	ssyncset.s32 @!p0 $0xFFFFF086;
	s6 =	sadd.s32 @!p0 s3, s7;
	s7 =	simm.s32 @!p0 $0x108  }
0x21: {  	s3 =	sadd.s32 s3, s9;
	s6 =	sadd.s32 @!p0 $0x88, s6;
	s7 =	simm.s32 @p2 $0x1082  }
0x22: {  	[simem:s7], [sflag:s8] =	dma.local @!p0 [hbm:s6], $0xF7A  }
0x23: {  	s9 =	sor.u32 $0xD0000000, s2;
	s6 =	simm.s32 $0x108;
	_ =	swait.ge @!p0 [sflag:s8], $0x0  }
0x24: {  	s3 =	sadd.s32 $0x88, s3;
	s6 =	simm.s32 @!p1 $0x1082;
	[sflag:s4] =	ssyncset.s32 $0xFFFFF086  }
0x25: {  	[simem:s6], [sflag:s4] =	dma.local [hbm:s3], $0xF7A  }
0x26: {  	[smem:$0x3F95] =	sst s1;
	(tag) =	ssettag s2;
	_ =	strace s9  }
0x27: {  	s1 =	sld [smem:$0x3FA5]  }
0x28: {  	s2 =	sld [smem:$0x3FA6]  }
0x29: {  	s4 =	sld [smem:$0x3FA8]  }
0x2a: {  	p0 =	seq.s32 s5, $0x0;
	s5 =	sld [smem:$0x3FA9]  }
0x2b: {  	s6 =	sld [smem:$0x3FAA]  }
0x2c: {  	s7 =	sld [smem:$0x3FAB]  }
0x2d: {  	s3 =	simm.s32 $0x108;
	s8 =	sld [smem:$0x3FAC]  }
0x2e: {  	s3 =	simm.s32 @!p0 $0x1082;
	s9 =	sld [smem:$0x3FAD]  }
0x2f: {  	lr =	sadd.s32 s0, s3;
	s0 =	sld [smem:$0x3FA4]  }
0x30: {  	s3 =	sld [smem:$0x3FA7]  }
0x31: {  	[smem:$0x3FB0] =	sst s10  }
0x32: {  	s10 =	sld [smem:$0x3FAE];
	_ =	sdelay $0x3  }
0x33: {  	p0 =	seq.s32 s10, $0x1;
	s10 =	sld [smem:$0x3FB0];
	_ =	sdelay $0x3  }
0x34: {  	[smem:$0x3FB0] =	sst s10  }
0x35: {  	s10 =	sld [smem:$0x3FAF];
	_ =	sdelay $0x3  }
0x36: {  	p1 =	seq.s32 s10, $0x1;
	s10 =	sld [smem:$0x3FB0];
	_ =	sdelay $0x3  }
0x37: {  	[smem:$0x3FB0] =	sst s10  }
0x38: {  	s10 =	sld [smem:$0x3FB1]  }
0x39: {  	_ = 	snop;
	(pc) =	sbr.ind lr, $3  }
0x3a: {  	_ = 	snop  }
0x3b: {  	_ = 	snop  }
0x3c: {  	p2 =	seq.s32 s10, $0x1;
	s10 =	sld [smem:$0x3FB0]  }
0x3d: {  	_ =	shalt  }
0x3e: {  	_ =	shalt  }
0x3f: {  	_ =	shalt  }
0x40: {  	_ =	shalt  }
0x41: {  	_ =	shalt  }
0x42: {  	_ =	shalt  }
0x43: {  	_ =	shalt  }
0x44: {  	_ =	shalt  }
0x45: {  	_ =	shalt  }
0x46: {  	_ =	shalt  }
0x47: {  	_ =	shalt  }
0x48: {  	_ =	shalt  }
0x49: {  	_ =	shalt  }
0x4a: {  	_ =	shalt  }
0x4b: {  	_ =	shalt  }
0x4c: {  	_ =	shalt  }
0x4d: {  	_ =	shalt  }
0x4e: {  	_ =	shalt  }
0x4f: {  	_ =	shalt  }
0x50: {  	_ =	shalt  }
0x51: {  	_ =	shalt  }
0x52: {  	_ =	shalt  }
0x53: {  	_ =	shalt  }
0x54: {  	_ =	shalt  }
0x55: {  	_ =	shalt  }
0x56: {  	_ =	shalt  }
0x57: {  	_ =	shalt  }
0x58: {  	_ =	shalt  }
0x59: {  	_ =	shalt  }
0x5a: {  	_ =	shalt  }
0x5b: {  	_ =	shalt  }
0x5c: {  	_ =	shalt  }
0x5d: {  	_ =	shalt  }
0x5e: {  	_ =	shalt  }
0x5f: {  	_ =	shalt  }
0x60: {  	_ =	shalt  }
0x61: {  	_ =	shalt  }
0x62: {  	_ =	shalt  }
0x63: {  	_ =	shalt  }
0x64: {  	_ =	shalt  }
0x65: {  	_ =	shalt  }
0x66: {  	_ =	shalt  }
0x67: {  	_ =	shalt  }
0x68: {  	_ =	shalt  }
0x69: {  	_ =	shalt  }
0x6a: {  	_ =	shalt  }
0x6b: {  	_ =	shalt  }
0x6c: {  	_ =	shalt  }
0x6d: {  	_ =	shalt  }
0x6e: {  	_ =	shalt  }
0x6f: {  	_ =	shalt  }
0x70: {  	_ =	shalt  }
0x71: {  	_ =	shalt  }
0x72: {  	_ =	shalt  }
0x73: {  	_ =	shalt  }
0x74: {  	_ =	shalt  }
0x75: {  	_ =	shalt  }
0x76: {  	_ =	shalt  }
0x77: {  	_ =	shalt  }
0x78: {  	_ =	shalt  }
0x79: {  	_ =	shalt  }
0x7a: {  	_ =	shalt  }
0x7b: {  	_ =	shalt  }
0x7c: {  	_ =	shalt  }
0x7d: {  	_ =	shalt  }
0x7e: {  	_ =	shalt  }
0x7f: {  	_ =	shalt  }
0x80: {  	_ =	shalt  }
0x81: {  	_ =	shalt  }
0x82: {  	_ =	shalt  }
0x83: {  	_ =	shalt  }
0x84: {  	_ =	shalt  }
0x85: {  	_ =	shalt  }
0x86: {  	_ =	shalt  }
0x87: {  	_ =	shalt  }
.Lfunc_end0:
.L_simem_size_0:
called_computation_lowered:
.L_overlay_start_0:
0x88: {  	s2 =	sld [smem:$0x3FD9]  }
0x89: {  	s3 =	sld [smem:$0x3FFE];
	_ =	sdelay $0x1  }
0x8a: {  	s1 =	srdreg.scid  }
0x8b: {  	s0 =	sand.u32 $0x1, s1  }
0x8c: {  	s17 =	sshll.u32 s0, $0xA;
	s2 =	sadd.s32 s3, s2  }
0x8d: {  	s2 =	sadd.s32 s2, s17  }
0x8e: {  	[smem:$0x3FBC] =	sst s2  }
0x8f: {  	_ = 	snop  }
0x90: {  	s2 =	sld [smem:$0x3FD0];
	(tm) =	ssettm $0x1  }
0x91: {  	s18 =	sld [smem:$0x3FFB];
	_ =	sdelay $0x3  }
0x92: {  	_ =	strace s18  }
0x93: {  	s3 =	sld [smem:$0x3FFC];
	_ =	sdelay $0x3  }
0x94: {  	_ =	strace s3  }
0x95: {  	s3 =	sld [smem:$0x3FFD];
	_ =	sdelay $0x3  }
0x96: {  	_ =	strace s3  }
0x97: {  	_ =	strace $0x8FFFFFFF  }
0x98: {  	s19 =	sld [smem:$0x3FDB];
	_ =	sdelay $0x1  }
0x99: {  	s4 =	simm.s32 $_scs_section_size  }
0x9a: {  	s5 =	simm.s32 $_size__tile_overlayer_lowered;
	s6 =	simm.s32 $_tile_overlayer_lowered  }
0x9b: {  	s22 =	simm.s32 $0x1BFF;
	s21 =	sshll.u32 s6, $0x1;
	s3 =	sadd.s32 s4, s19  }
0x9c: {  	s7 =	simm.s32 $0x0;
	s20 =	sshll.u32 s5, $0x1;
	s5 =	sadd.s32 s21, s3  }
0x9d: {  	[timem:s7], [sflag:s22] =	dma.local [hbm:s5], s20  }
0x9e: {  	_ =	swait.ge [sflag:s22], s20  }
0x9f: {  	s4 =	ssub.s32 $0x0, s20;
	[sflag:s22] =	ssyncset.done $0x0  }
0xa0: {  	[sflag:s22] =	ssyncadd.s32 s4;
	_ =	sdelay $0x1  }
0xa1: {  	s23 =	simm.s32 $0x1B8B  }
0xa2: {  	_ =	swait.ge [sflag:s23], $0x1  }
0xa3: {  	[sflag:s23] =	ssyncset.done $0x0  }
0xa4: {  	s25 =	simm.s32 $0x1B8E;
	s24 =	sld [smem:$0x3FFE];
	[sflag:s23] =	ssyncadd.s32 $0xFFFFFFFF  }
0xa5: {  	s26 =	simm.s32 $execute0_lowered;
	[smem:$0x3FD2] =	sst s25  }
0xa6: {  	s5 =	sshll.u32 s26, $0x1;
	_ =	strace $0x80000046;
	[dreg:$0x1] =	wrdreg $0xFFFFFFFF  }
0xa7: {  	s28 =	simm.s32 $_size_execute0_lowered;
	s3 =	sadd.s32 s3, s5;
	[dreg:$0x0] =	wrdreg $0x0  }
0xa8: {  	s5 =	sshll.u32 s28, $0x1;
	[dreg:$0x2] =	wrdreg s3  }
0xa9: {  	[dreg:$0x3] =	wrdreg s5  }
0xaa: {  	[dreg:$0x4] =	wrdreg $0xC0  }
0xab: {  	_ =	task [dreg:s7], $0x5FFFF  }
0xac: {  	[dreg:$0x1] =	wrdreg $0xFFFFFFFF  }
0xad: {  	[dreg:$0x0] =	wrdreg $0x60  }
0xae: {  	[dreg:$0x2] =	wrdreg s24  }
0xaf: {  	[dreg:$0x3] =	wrdreg s2  }
0xb0: {  	[dreg:$0x4] =	wrdreg $0x9  }
0xb1: {  	_ =	task.clear_ibuf [dreg:s7], $0x5FFFF;
	_ =	strace $0x90000046  }
0xb2: {  	s29 =	simm.s32 $0x9;
	_ =	strace $0x80000048  }
0xb3: {  	_ =	swait.ge [sflag:s29], $0x1  }
0xb4: {  	[sflag:s29] =	ssyncadd.s32 $0xFFFFFFFF  }
0xb5: {  	_ =	strace $0x90000048  }
0xb6: {  	_ =	sfence  }
0xb7: {  	s30 =	sld [smem:$0x0];
	_ =	sdelay $0x2  }
0xb8: {  	s31 =	sshll.u32 s1, $0xD;
	s1 =	sshrl.u32 s1, $0x2  }
0xb9: {  	s3 =	sand.u32 $0x4000, s31;
	s1 =	sadd.s32 s1, s30  }
0xba: {  	s0 =	sor.u32 s3, s0;
	s1 =	sshll.u32 s1, $0x11  }
0xbb: {  	s0 =	sor.u32 s1, s0  }
0xbc: {  	s0 =	sadd.s32 $0x8F2B, s0  }
0xbd: {  	[sflag:s0] =	ssyncadd.remote.s32 $0x1  }
0xbe: {  	_ =	sfence.sel $0xFFFF  }
0xbf: {  	[dreg:$0x0] =	wrdreg $0xFFFFFFFF;
	(pc) =	sbr.abs _section_cstart, $3  }
0xc0: {  	[dreg:$0x1] =	wrdreg $0xFFFFFFFF  }
0xc1: {  	_ =	task.clear_ibuf [dreg:s7], $0x2FFFF;
	_ =	strace $0x9FFFFFFF  }
0xc2: {  	(tm) =	ssettm $0x7FFFFFFF  }
0xc3: {  	_ =	shalt  }
tec
execute0_lowered:
.L_overlay_start_1:
0x0: {  	(tag) =	ssettag $0x1  }
0x1: {  	s3 =	rddreg [dreg:$0x0]  }
0x2: {  	s6 =	rddreg [dreg:$0x1]  }
0x3: {  	s0 =	rddreg [dreg:$0x2];
	s2 =	simm.s32 $0x0;
	s1 =	stileid.u32  }
0x4: {  	s4 =	srdreg.scid;
	s10 =	simm.s32 $0x1;
	s11 =	simm.s32 $0x10000  }
0x5: {  	s12 =	simm.s32 $0x11000;
	s13 =	simm.s32 $0x12000;
	s14 =	simm.s32 $0x0  }
0x6: {  	[smem:$0x7FF] =	sst s2;
	s5 =	sshll.u32 s1, $0x2;
	s4 =	sand.u32 $0x1, s4  }
0x7: {  	s7 =	sshll.u32 s1, $0x1;
	_ =	strace $0x80000047;
	s5 =	sand.u32 $0x30, s5  }
0x8: {  	s7 =	sor.u32 s4, s7;
	s4 =	ssub.s32 $0x2, s4;
	s5 =	sadd.s32 s5, s3  }
0x9: {  	s8 =	sshll.u32 s7, $0x9;
	s9 =	sshrl.u32 s4, $0x1;
	s7 =	sshll.u32 s7, $0xC  }
0xa: {  	s8 =	sadd.s32 s8, s3;
	s9 =	ssub.s32 s4, s9;
	s3 =	sadd.s32 $0x9C00, s5  }
0xb: {  	s6 =	sadd.s32 s6, s7;
	s4 =	sadd.s32 $0x1C00, s8;
	s5 =	sadd.s32 $0x5C00, s8  }
0xc: {  	s7 =	smax.u32 s9, $0x1;
	s8 =	simm.s32 $0x80;
	s9 =	simm.s32 $0x200  }
.LBB2_1:
0xd: {  	[tilespmem:s2], [sflag:$0x1] =	stream.strided.gather [hbm4b:s3+s8], $0x10000, s9, s8, $0x38;
	[tilespmem:$0x1A000] =	vst v63  }
0xe: {  	_ =	swait.ge [sflag:s10], $0x10000  }
0xf: {  	[sflag:s10] =	ssyncset.done $0x0  }
0x10: {  	[sflag:s10] =	ssyncadd.s32 $0xFFFF0000  }
0x11: {  	[tilespmem:s11], [sflag:$0x1] =	stream.linear.gather [hbm4b:s4+s2], $0x1000, $0x38;
	[tilespmem:$0x1A000] =	vst v63  }
0x12: {  	_ =	swait.ge [sflag:s10], $0x1000  }
0x13: {  	[sflag:s10] =	ssyncset.done $0x0  }
0x14: {  	[sflag:s10] =	ssyncadd.s32 $0xFFFFF000  }
0x15: {  	[tilespmem:s12], [sflag:$0x1] =	stream.linear.gather [hbm4b:s5+s2], $0x1000, $0x38;
	[tilespmem:$0x1A000] =	vst v63  }
0x16: {  	_ =	swait.ge [sflag:s10], $0x1000  }
0x17: {  	[sflag:s10] =	ssyncset.done $0x0  }
0x18: {  	s15 =	simm.s32 $0x0;
	[sflag:s10] =	ssyncadd.s32 $0xFFFFF000  }
0x19: {  	v0 =	vld [tilespmem:s15+$0x10000];
	_ =	sdelay $0x4  }
0x1a: {  	v0 =	vshll.u32 v0, $0x7  }
0x1b: {  	v1 =	vshra.s32 v0, $0x2  }
0x1c: {  	(v2sf) =	vpush v1, $0x0  }
0x1d: {  	(v2sf) =	vpush v1, $0x1  }
0x1e: {  	(v2sf) =	vpush v1, $0x2;
	_ =	sdelay $0xc  }
0x1f: {  	v0 =	vld [tilespmem:s15+$0x11000];
	s31 =	spop (v2sf)  }
0x20: {  	v3 =	vld [tilespmem:s31+$0x0];
	s16 =	spop (v2sf);
	(v2sf) =	vpush v1, $0x4  }
0x21: {  	v5 =	vld [tilespmem:s31+$0x10];
	s18 =	spop (v2sf);
	(v2sf) =	vpush v1, $0x5  }
0x22: {  	v2 =	vld [tilespmem:s16+$0x10]  }
0x23: {  	v4 =	vld [tilespmem:s16+$0x0]  }
0x24: {  	v6 =	vld [tilespmem:s18+$0x0];
	(v2sf) =	vpush v1, $0x6  }
0x25: {  	s17 =	simm.s32 $0x40;
	s15 =	simm.s32 $0x12040;
	v8 =	vbroadcast v0, $0x0;
	v9 =	vbroadcast v0, $0x1;
	s16 =	simm.s32 $0x12040;
	v7 =	vld [tilespmem:s18+$0x10]  }
.LBB2_2:
0x26: {  	p0 =	sne.s32 s17, $0x3FC0  }
0x27: {  	v3 =	vmul.f32 v3, v8;
	v10 =	vbroadcast v0, $0x2;
	s16 =	sadd.s32 $0x80, s16;
	s18 =	smov.u32 s17;
	s17 =	sadd.s32 $0x40, s17  }
0x28: {  	v4 =	vmul.f32 v4, v9;
	v2 =	vmul.f32 v2, v9  }
0x29: {  	v5 =	vmul.f32 v5, v8  }
0x2a: {  	v3 =	vadd.f32 v4, v3;
	v4 =	vmul.f32 v6, v10  }
0x2b: {  	v2 =	vadd.f32 v2, v5;
	v5 =	vmul.f32 v7, v10  }
0x2c: {  	v3 =	vadd.f32 v4, v3  }
0x2d: {  	v2 =	vadd.f32 v5, v2  }
0x2e: {  	[tilespmem:s15+$0xFFFFFFC0] =	vst v3  }
0x2f: {  	[tilespmem:s15+$0xFFFFFFD0] =	vst v2;
	s19 =	spop (v2sf);
	(v2sf) =	vpush v1, $0x9  }
0x30: {  	v2 =	vld [tilespmem:s19+$0x10];
	s20 =	spop (v2sf)  }
0x31: {  	v3 =	vld [tilespmem:s20+$0x0];
	(v2sf) =	vpush v1, $0x8  }
0x32: {  	v4 =	vld [tilespmem:s19+$0x0]  }
0x33: {  	s18 =	sshra.s32 s18, $0x2;
	v5 =	vld [tilespmem:s20+$0x10];
	s19 =	spop (v2sf);
	(v2sf) =	vpush v1, $0xA  }
0x34: {  	v6 =	vbroadcast v0, $0x5;
	v7 =	vld [tilespmem:s19+$0x0]  }
0x35: {  	v8 =	vbroadcast v0, $0x4;
	v9 =	vld [tilespmem:s19+$0x10]  }
0x36: {  	v10 =	vbroadcast v0, $0x6;
	v3 =	vmul.f32 v3, v6  }
0x37: {  	v2 =	vmul.f32 v2, v8;
	v4 =	vmul.f32 v4, v8  }
0x38: {  	v5 =	vmul.f32 v5, v6  }
0x39: {  	v3 =	vadd.f32 v3, v4;
	v4 =	vmul.f32 v7, v10  }
0x3a: {  	v2 =	vadd.f32 v5, v2;
	v5 =	vmul.f32 v9, v10  }
0x3b: {  	v3 =	vadd.f32 v4, v3  }
0x3c: {  	v2 =	vadd.f32 v5, v2  }
0x3d: {  	[tilespmem:s15+$0xFFFFFFE0] =	vst v3  }
0x3e: {  	[tilespmem:s15+$0xFFFFFFF0] =	vst v2;
	s19 =	spop (v2sf);
	(v2sf) =	vpush v1, $0xC  }
0x3f: {  	v2 =	vld [tilespmem:s19+$0x10]  }
0x40: {  	v3 =	vld [tilespmem:s19+$0x0];
	s19 =	spop (v2sf);
	(v2sf) =	vpush v1, $0xD  }
0x41: {  	v4 =	vld [tilespmem:s19+$0x0]  }
0x42: {  	v5 =	vld [tilespmem:s19+$0x10];
	s19 =	spop (v2sf);
	(v2sf) =	vpush v1, $0xE  }
0x43: {  	v1 =	vbroadcast v0, $0x9;
	v6 =	vld [tilespmem:s19+$0x0]  }
0x44: {  	v7 =	vbroadcast v0, $0x8;
	v8 =	vld [tilespmem:s19+$0x10]  }
0x45: {  	v3 =	vmul.f32 v3, v1  }
0x46: {  	v9 =	vbroadcast v0, $0xA;
	v4 =	vmul.f32 v4, v7  }
0x47: {  	v1 =	vmul.f32 v2, v1;
	v5 =	vmul.f32 v5, v7  }
0x48: {  	v2 =	vadd.f32 v3, v4;
	v3 =	vmul.f32 v6, v9  }
0x49: {  	v1 =	vadd.f32 v1, v5;
	v4 =	vmul.f32 v8, v9  }
0x4a: {  	v2 =	vadd.f32 v3, v2  }
0x4b: {  	v1 =	vadd.f32 v4, v1  }
0x4c: {  	[tilespmem:s15+$0x0] =	vst v2  }
0x4d: {  	[tilespmem:s15+$0x10] =	vst v1;
	s19 =	spop (v2sf)  }
0x4e: {  	v1 =	vld [tilespmem:s19+$0x0]  }
0x4f: {  	v2 =	vld [tilespmem:s19+$0x10];
	s19 =	spop (v2sf)  }
0x50: {  	v3 =	vld [tilespmem:s19+$0x0]  }
0x51: {  	v4 =	vbroadcast v0, $0xC;
	v5 =	vld [tilespmem:s19+$0x10];
	s19 =	spop (v2sf)  }
0x52: {  	v6 =	vld [tilespmem:s19+$0x0]  }
0x53: {  	v7 =	vbroadcast v0, $0xD;
	v1 =	vmul.f32 v1, v4;
	v8 =	vld [tilespmem:s19+$0x10]  }
0x54: {  	v2 =	vmul.f32 v2, v4  }
0x55: {  	v0 =	vbroadcast v0, $0xE;
	v3 =	vmul.f32 v3, v7  }
0x56: {  	v4 =	vmul.f32 v5, v7  }
0x57: {  	v1 =	vadd.f32 v3, v1;
	v3 =	vmul.f32 v6, v0  }
0x58: {  	v2 =	vadd.f32 v4, v2;
	v0 =	vmul.f32 v8, v0  }
0x59: {  	v1 =	vadd.f32 v3, v1  }
0x5a: {  	v0 =	vadd.f32 v0, v2  }
0x5b: {  	[tilespmem:s15+$0x20] =	vst v1  }
0x5c: {  	[tilespmem:s15+$0x30] =	vst v0;
	s15 =	smov.u32 s16  }
0x5d: {  	v0 =	vld [tilespmem:s18+$0x10000];
	_ =	sdelay $0x4  }
0x5e: {  	v0 =	vshll.u32 v0, $0x7  }
0x5f: {  	v1 =	vshra.s32 v0, $0x2  }
0x60: {  	(v2sf) =	vpush v1, $0x0  }
0x61: {  	(v2sf) =	vpush v1, $0x1  }
0x62: {  	(v2sf) =	vpush v1, $0x2;
	_ =	sdelay $0xc  }
0x63: {  	v0 =	vld [tilespmem:s18+$0x11000];
	s18 =	spop (v2sf);
	(v2sf) =	vpush v1, $0x4  }
0x64: {  	v3 =	vld [tilespmem:s18+$0x0];
	s19 =	spop (v2sf);
	(v2sf) =	vpush v1, $0x5  }
.Ltmp0:
0x65: {  	v2 =	vld [tilespmem:s19+$0x10];
	s20 =	spop (v2sf);
	(pc) =	sbr.rel @p0 .LBB2_2-.Ltmp0, $4  }
0x66: {  	v4 =	vld [tilespmem:s19+$0x0]  }
0x67: {  	v5 =	vld [tilespmem:s18+$0x10];
	(v2sf) =	vpush v1, $0x6  }
0x68: {  	v8 =	vbroadcast v0, $0x0;
	v6 =	vld [tilespmem:s20+$0x0]  }
0x69: {  	v9 =	vbroadcast v0, $0x1;
	v7 =	vld [tilespmem:s20+$0x10]  }
0x6a: {  	v3 =	vmul.f32 v3, v8  }
0x6b: {  	v10 =	vbroadcast v0, $0x2;
	v4 =	vmul.f32 v4, v9  }
0x6c: {  	v2 =	vmul.f32 v2, v9;
	v5 =	vmul.f32 v5, v8  }
0x6d: {  	v3 =	vadd.f32 v4, v3;
	v35 =	vmul.f32 v6, v10  }
0x6e: {  	v2 =	vadd.f32 v2, v5;
	v36 =	vmul.f32 v7, v10  }
0x6f: {  	v3 =	vadd.f32 v35, v3  }
0x70: {  	v2 =	vadd.f32 v36, v2  }
0x71: {  	[tilespmem:s15+$0xFFFFFFC0] =	vst v3  }
0x72: {  	[tilespmem:s15+$0xFFFFFFD0] =	vst v2;
	s16 =	spop (v2sf);
	(v2sf) =	vpush v1, $0x9  }
0x73: {  	v2 =	vld [tilespmem:s16+$0x10]  }
0x74: {  	s17 =	spop (v2sf);
	(v2sf) =	vpush v1, $0x8;
	v37 =	vld [tilespmem:s16+$0x0]  }
0x75: {  	v3 =	vld [tilespmem:s17+$0x0]  }
0x76: {  	v38 =	vld [tilespmem:s17+$0x10];
	s24 =	spop (v2sf);
	(v2sf) =	vpush v1, $0xA  }
0x77: {  	v40 =	vld [tilespmem:s24+$0x0]  }
0x78: {  	v39 =	vbroadcast v0, $0x5;
	v41 =	vbroadcast v0, $0x4;
	v42 =	vld [tilespmem:s24+$0x10]  }
0x79: {  	v43 =	vbroadcast v0, $0x6  }
0x7a: {  	v4 =	vmul.f32 v37, v41;
	v3 =	vmul.f32 v3, v39  }
0x7b: {  	v2 =	vmul.f32 v2, v41;
	v5 =	vmul.f32 v38, v39  }
0x7c: {  	v3 =	vadd.f32 v3, v4;
	v44 =	vmul.f32 v40, v43  }
0x7d: {  	v2 =	vadd.f32 v5, v2;
	v45 =	vmul.f32 v42, v43  }
0x7e: {  	v3 =	vadd.f32 v44, v3  }
0x7f: {  	v2 =	vadd.f32 v45, v2  }
0x80: {  	[tilespmem:s15+$0xFFFFFFE0] =	vst v3  }
0x81: {  	[tilespmem:s15+$0xFFFFFFF0] =	vst v2;
	s25 =	spop (v2sf);
	(v2sf) =	vpush v1, $0xC  }
0x82: {  	v2 =	vld [tilespmem:s25+$0x10]  }
0x83: {  	v3 =	vld [tilespmem:s25+$0x0];
	s26 =	spop (v2sf);
	(v2sf) =	vpush v1, $0xD  }
0x84: {  	v46 =	vld [tilespmem:s26+$0x0]  }
0x85: {  	v47 =	vld [tilespmem:s26+$0x10];
	s28 =	spop (v2sf);
	(v2sf) =	vpush v1, $0xE  }
0x86: {  	v49 =	vld [tilespmem:s28+$0x0]  }
0x87: {  	v48 =	vbroadcast v0, $0x9;
	v50 =	vbroadcast v0, $0x8;
	v51 =	vld [tilespmem:s28+$0x10]  }
0x88: {  	v52 =	vbroadcast v0, $0xA  }
0x89: {  	v3 =	vmul.f32 v3, v48;
	v4 =	vmul.f32 v46, v50  }
0x8a: {  	v1 =	vmul.f32 v2, v48;
	v5 =	vmul.f32 v47, v50  }
0x8b: {  	v53 =	vadd.f32 v3, v4;
	v54 =	vmul.f32 v49, v52  }
0x8c: {  	v1 =	vadd.f32 v1, v5;
	v55 =	vmul.f32 v51, v52  }
0x8d: {  	v2 =	vadd.f32 v54, v53  }
0x8e: {  	v1 =	vadd.f32 v55, v1  }
0x8f: {  	[tilespmem:s15+$0x0] =	vst v2  }
0x90: {  	[tilespmem:s15+$0x10] =	vst v1;
	s29 =	spop (v2sf)  }
0x91: {  	v1 =	vld [tilespmem:s29+$0x0]  }
0x92: {  	v2 =	vld [tilespmem:s29+$0x10];
	s30 =	spop (v2sf)  }
0x93: {  	v56 =	vld [tilespmem:s30+$0x0]  }
0x94: {  	v57 =	vld [tilespmem:s30+$0x10];
	s31 =	spop (v2sf)  }
0x95: {  	v59 =	vld [tilespmem:s31+$0x0]  }
0x96: {  	v58 =	vbroadcast v0, $0xC;
	v60 =	vbroadcast v0, $0xD;
	v61 =	vld [tilespmem:s31+$0x10]  }
0x97: {  	v62 =	vbroadcast v0, $0xE  }
0x98: {  	v1 =	vmul.f32 v1, v58;
	v3 =	vmul.f32 v56, v60  }
0x99: {  	v2 =	vmul.f32 v2, v58;
	v4 =	vmul.f32 v57, v60  }
0x9a: {  	v1 =	vadd.f32 v3, v1;
	v63 =	vmul.f32 v59, v62  }
0x9b: {  	v2 =	vadd.f32 v4, v2;
	v0 =	vmul.f32 v61, v62  }
0x9c: {  	v1 =	vadd.f32 v63, v1  }
0x9d: {  	s14 =	sadd.s32 $0x1, s14;
	v0 =	vadd.f32 v0, v2  }
0x9e: {  	p0 =	sne.s32 s14, s7;
	[tilespmem:s15+$0x20] =	vst v1  }
.Ltmp1:
0x9f: {  	[tilespmem:s15+$0x30] =	vst v0;
	(pc) =	sbr.rel @p0 .LBB2_1-.Ltmp1, $4  }
0xa0: {  	[hbm4b:s6+s2] =	stream.linear.scatter [tilespmem:s13], [sflag:$0x1], $0x8000, $0x38;
	[tilespmem:$0x1A000] =	vst v63  }
0xa1: {  	_ =	swait.ge [sflag:s10], $0x8000  }
0xa2: {  	[sflag:s10] =	ssyncset.done $0x0  }
0xa3: {  	[sflag:s10] =	ssyncadd.s32 $0xFFFF8000  }
0xa4: {  	_ =	sfence.sel $0x180000  }
0xa5: {  	[bflag:$0x0] =	sbarrier.arrive $0xFFFF  }
0xa6: {  	p0 =	sne.s32 s1, $0x0;
	_ =	strace $0x90000047  }
0xa7: {  	s0 =	sadd.s32 @!p0 $0x100000, s0;
	[bflag:$0x2] =	sbarrier.arrive $0xFFFF  }
0xa8: {  	[sflag:s0] =	ssyncadd.tile.s32 @!p0 $0x1;
	_ =	shalt  }
.Lfunc_end2:
_tile_overlayer_lowered:
.L_overlay_start_2:
0xa9: {  	(tag) =	ssettag $0x2  }
0xaa: {  	s0 =	rddreg [dreg:$0x0];
	s2 =	stileid.u32  }
0xab: {  	s1 =	rddreg [dreg:$0x1];
	p0 =	sne.s32 s2, $0x0  }
0xac: {  	s3 =	rddreg [dreg:$0x2];
	[bflag:$0x3] =	sbarrier.arrive $0xFFFF;
	s2 =	simm.s32 @!p0 $0x1C01  }
0xad: {  	[timem:s3], [sflag:s2] =	dma.local @!p0 [hbm:s0], s1  }
0xae: {  	s0 =	simm.s32 @!p0 $0x1  }
0xaf: {  	_ =	swait.ge @!p0 [sflag:s0], s1  }
0xb0: {  	s1 =	ssub.s32 @!p0 $0x0, s1;
	[sflag:s0] =	ssyncset.done @!p0 $0x0  }
0xb1: {  	[sflag:s0] =	ssyncadd.s32 @!p0 s1  }
0xb2: {  	[bflag:$0x3] =	sbarrier.arrive $0xFFFF  }
0xb3: {  	_ =	shalt  }

</sc_bundles>
